<compile_context>
chip_gen: v7x
topology: tpu7x:2x2x1
jax: 0.10.2.dev20260603
libtpu: 0.0.44.dev20260713+nightly
codegen_flags: <defaults>
</compile_context>

<pallas_src>
import functools

import jax
import jax.numpy as jnp
from jax import lax
from jax.experimental import pallas as pl
from jax.experimental.pallas import tpu as pltpu
from jax.experimental.pallas import tpu_sc as plsc

NW = 32
CHUNK = 32
PWIN = 32
NBUF = 2
LANES = 16


def _emb_body(b, s, n_chunks, x_hbm, tok_hbm, pos_hbm, out_hbm,
              idx_v, pos_v, *rest):
    tok = list(rest[:NBUF])
    gsem = list(rest[NBUF:2 * NBUF])
    wsem = list(rest[2 * NBUF:3 * NBUF])
    d = tok[0].shape[1]
    sub_per_win = PWIN // CHUNK
    chunks_per_win = b * sub_per_win
    wid = lax.axis_index("s") * 2 + lax.axis_index("c")
    pos_base = wid * (s // NW)

    g_desc = [None] * NBUF
    w_desc = [None] * NBUF

    pltpu.sync_copy(x_hbm.at[wid], idx_v)

    def start_gather(ci):
        sl = ci % NBUF
        if w_desc[sl] is not None:
            w_desc[sl].wait()
            w_desc[sl] = None
        g_desc[sl] = pltpu.async_copy(tok_hbm.at[idx_v.at[ci]], tok[sl], gsem[sl])

    def out_slice(ci):
        win, r = divmod(ci, chunks_per_win)
        bi, sub = divmod(r, sub_per_win)
        off = pos_base + bi * s + win * PWIN + sub * CHUNK
        return out_hbm.at[pl.ds(pl.multiple_of(off, 8), CHUNK)]

    for cj in range(min(NBUF - 1, n_chunks)):
        start_gather(cj)

    gpr = d // LANES
    for ci in range(n_chunks):
        sl = ci % NBUF
        if ci % chunks_per_win == 0:
            win = ci // chunks_per_win
            off = pos_base + win * PWIN
            pltpu.sync_copy(
                pos_hbm.at[pl.ds(pl.multiple_of(off, 8), PWIN)], pos_v)
        if ci + NBUF - 1 < n_chunks:
            start_gather(ci + NBUF - 1)
        g_desc[sl].wait()
        cur = tok[sl]
        prow = (ci % chunks_per_win) % sub_per_win * CHUNK

        @plsc.parallel_loop(0, CHUNK * gpr, unroll=4)
        def add_body(g, cur=cur, prow=prow):
            r = lax.shift_right_logical(g, gpr.bit_length() - 1)
            col = pl.multiple_of(
                lax.shift_left(lax.bitwise_and(g, gpr - 1), 4), LANES)
            v = pos_v[prow + r, pl.ds(col, LANES)]
            plsc.addupdate(cur.at[r, pl.ds(col, LANES)], v)

        w_desc[sl] = pltpu.async_copy(cur, out_slice(ci), wsem[sl])

    for sl in range(NBUF):
        if w_desc[sl] is not None:
            w_desc[sl].wait()


def kernel(x, tok_emb, pos_emb):
    b, s = x.shape
    d = tok_emb.shape[1]
    t = b * s
    t_per_w = t // NW
    pos_per_w = s // NW
    n_win = pos_per_w // PWIN
    sub_per_win = PWIN // CHUNK
    n_chunks = n_win * b * sub_per_win
    assert n_chunks * CHUNK == t_per_w and d % LANES == 0
    xf = (x.reshape(b, NW, n_win, sub_per_win, CHUNK)
           .transpose(1, 2, 0, 3, 4)
           .reshape(NW, n_chunks, CHUNK)
           .astype(jnp.int32))

    mesh = plsc.VectorSubcoreMesh(core_axis_name="c", subcore_axis_name="s")
    emb = functools.partial(
        pl.kernel,
        out_type=jax.ShapeDtypeStruct((t, d), jnp.float32),
        mesh=mesh,
        scratch_types=(
            [pltpu.VMEM((n_chunks, CHUNK), jnp.int32),
             pltpu.VMEM((PWIN, d), jnp.float32)]
            + [pltpu.VMEM((CHUNK, d), jnp.float32)] * NBUF
            + [pltpu.SemaphoreType.DMA] * (2 * NBUF)
        ),
    )(functools.partial(_emb_body, b, s, n_chunks))
    out = emb(xf, tok_emb, pos_emb)
    return out.reshape(b, s, d)

# --- scband reference (transcript-rebuilt; emitter-appended) ---
"""Pipeline reference for scband-gpt2-embedding-11252814316107 (READ-ONLY COPY).

The authoritative reference and input builder live on the scoring server;
editing this copy changes nothing except your own understanding.
"""

import jax, jax.numpy as jnp
import numpy as np

VOCAB = 100000
HIDDEN = 1024
MAX_SEQ = 8192


def setup_inputs(seed: int = 0) -> dict:
    key = jax.random.key(seed)
    k1, k2, k3 = jax.random.split(key, 3)
    x = jax.random.randint(k1, (4, 2048), 0, VOCAB, dtype=jnp.int64 if jax.config.jax_enable_x64 else jnp.int32)
    tok_emb = jax.random.normal(k2, (VOCAB, HIDDEN), dtype=jnp.float32) * 0.02
    pos_emb = jax.random.normal(k3, (MAX_SEQ, HIDDEN), dtype=jnp.float32) * 0.02
    return {"x": x, "tok_emb": tok_emb, "pos_emb": pos_emb}


def reference(x, tok_emb, pos_emb):
    # GPT2Embedding.forward with seq_offset=0, transposed=False, dropout_rate=0.0
    seq_offset = 0
    seq_len = x.shape[-1]
    p = jnp.arange(seq_offset, seq_offset + seq_len)
    p = p.reshape((1,) * (x.ndim - 1) + (-1,))
    tok = jnp.take(tok_emb, x, axis=0)          # gather: token embedding lookup
    pos = jnp.take(pos_emb, p, axis=0)          # gather: position embedding lookup
    out = tok + pos                              # dropout(p=0.0) is identity
    return out

if __name__ == "__main__":
    import jax
    _d = setup_inputs()
    print(jax.jit(kernel)(*tuple(_d.values())))

</pallas_src>

<mosaic_0001>
#map = affine_map<(d0, d1) -> (0, 0, 0)>
#map1 = affine_map<(d0, d1) -> (0, 0)>
module attributes {stable_mosaic.version = 14 : i64} {
  func.func @_emb_body(%arg0: i32, %arg1: i32, %arg2: memref<32x8x32xi32, #tpu.memory_space<hbm>>, %arg3: memref<100000x1024xf32, #tpu.memory_space<hbm>>, %arg4: memref<8192x1024xf32, #tpu.memory_space<hbm>>, %arg5: memref<8192x1024xf32, #tpu.memory_space<hbm>>, %arg6: memref<8x32xi32, #tpu.memory_space<vmem>>, %arg7: memref<32x1024xf32, #tpu.memory_space<vmem>>, %arg8: memref<32x1024xf32, #tpu.memory_space<vmem>>, %arg9: memref<32x1024xf32, #tpu.memory_space<vmem>>, %arg10: memref<!tpu.dma_semaphore, #tpu.memory_space<semaphore_mem>>, %arg11: memref<!tpu.dma_semaphore, #tpu.memory_space<semaphore_mem>>, %arg12: memref<!tpu.dma_semaphore, #tpu.memory_space<semaphore_mem>>, %arg13: memref<!tpu.dma_semaphore, #tpu.memory_space<semaphore_mem>>) attributes {dimension_semantics = [#tpu.dimension_semantics<core_parallel>, #tpu.dimension_semantics<subcore_parallel>], iteration_bounds = array<i64: 2, 16>, scalar_prefetch = 0 : i64, scratch_operands = 8 : i64, tpu.core_type = #tpu.core_type<sc_vector_subcore>, window_params = [{transform_indices = #map}, {transform_indices = #map1}, {transform_indices = #map1}, {transform_indices = #map1}]} {
    %mul3A = arith.constant 2 : i32
    %mul3A_0 = arith.muli %arg1, %mul3A : i32
    %add3A = arith.addi %mul3A_0, %arg0 : i32
    %mul3A_1 = arith.constant 64 : i32
    %mul3A_2 = arith.muli %add3A, %mul3A_1 : i32
    "tpu.region"() ({
      %run_scoped3A = tpu.sem_alloc : memref<!tpu.dma_semaphore, #tpu.memory_space<semaphore_mem>>
      %dma_start3A_261 = arith.constant 0 : i32
      %dma_start3A_262 = arith.constant 0 : i32
      %dma_start3A_263 = tpu.memref_slice %arg2[%add3A, %dma_start3A_261, %dma_start3A_262] : memref<32x8x32xi32, #tpu.memory_space<hbm>> -> memref<1x8x32xi32, #tpu.memory_space<hbm>>
      %dma_start3A_264 = tpu.memref_squeeze %dma_start3A_263 : memref<1x8x32xi32, #tpu.memory_space<hbm>> -> memref<8x32xi32, #tpu.memory_space<hbm>>
      %dma_start3A_265 = arith.constant 0 : i32
      %dma_start3A_266 = arith.constant 0 : i32
      %dma_start3A_267 = tpu.memref_slice %arg2[%add3A, %dma_start3A_265, %dma_start3A_266] : memref<32x8x32xi32, #tpu.memory_space<hbm>> -> memref<1x8x32xi32, #tpu.memory_space<hbm>>
      %dma_start3A_268 = tpu.memref_squeeze %dma_start3A_267 : memref<1x8x32xi32, #tpu.memory_space<hbm>> -> memref<8x32xi32, #tpu.memory_space<hbm>>
      tpu.enqueue_dma source(%dma_start3A_268 : memref<8x32xi32, #tpu.memory_space<hbm>>) target(%arg6 : memref<8x32xi32, #tpu.memory_space<vmem>>) target_semaphore(%run_scoped3A : memref<!tpu.dma_semaphore, #tpu.memory_space<semaphore_mem>>)
      %dma_wait3A_269 = arith.constant 0 : i32
      %dma_wait3A_270 = arith.constant 0 : i32
      %dma_wait3A_271 = tpu.memref_slice %arg2[%add3A, %dma_wait3A_269, %dma_wait3A_270] : memref<32x8x32xi32, #tpu.memory_space<hbm>> -> memref<1x8x32xi32, #tpu.memory_space<hbm>>
      %dma_wait3A_272 = tpu.memref_squeeze %dma_wait3A_271 : memref<1x8x32xi32, #tpu.memory_space<hbm>> -> memref<8x32xi32, #tpu.memory_space<hbm>>
      %dma_wait3A_273 = arith.constant 0 : i32
      %dma_wait3A_274 = arith.constant 0 : i32
      %dma_wait3A_275 = tpu.memref_slice %arg2[%add3A, %dma_wait3A_273, %dma_wait3A_274] : memref<32x8x32xi32, #tpu.memory_space<hbm>> -> memref<1x8x32xi32, #tpu.memory_space<hbm>>
      %dma_wait3A_276 = tpu.memref_squeeze %dma_wait3A_275 : memref<1x8x32xi32, #tpu.memory_space<hbm>> -> memref<8x32xi32, #tpu.memory_space<hbm>>
      tpu.wait_dma2 semaphore(%run_scoped3A : memref<!tpu.dma_semaphore, #tpu.memory_space<semaphore_mem>>) src(%dma_wait3A_276 : memref<8x32xi32, #tpu.memory_space<hbm>>) dst(%arg6 : memref<8x32xi32, #tpu.memory_space<vmem>>)
      tpu.yield
    }) : () -> ()
    %dma_start3A = arith.constant 0 : i32
    %dma_start3A_3 = arith.constant 0 : i32
    %dma_start3A_4 = tpu.memref_slice %arg6[%dma_start3A, %dma_start3A_3] : memref<8x32xi32, #tpu.memory_space<vmem>> -> memref<1x32xi32, #tpu.memory_space<vmem>>
    %dma_start3A_5 = tpu.memref_squeeze %dma_start3A_4 : memref<1x32xi32, #tpu.memory_space<vmem>> -> memref<32xi32, #tpu.memory_space<vmem>>
    %dma_start3A_6 = arith.constant 0 : i32
    %dma_start3A_7 = arith.constant 0 : i32
    %dma_start3A_8 = tpu.memref_slice %arg3[%dma_start3A_6, %dma_start3A_7] : memref<100000x1024xf32, #tpu.memory_space<hbm>> -> memref<100000x1024xf32, #tpu.memory_space<hbm>>
    tpu.enqueue_indirect_dma source(%dma_start3A_8 : memref<100000x1024xf32, #tpu.memory_space<hbm>>) target(%arg8 : memref<32x1024xf32, #tpu.memory_space<vmem>>) offsets(%dma_start3A_5 : memref<32xi32, #tpu.memory_space<vmem>>) semaphore(%arg10 : memref<!tpu.dma_semaphore, #tpu.memory_space<semaphore_mem>>)
    %add3A_9 = arith.constant 0 : i32
    %add3A_10 = arith.addi %mul3A_2, %add3A_9 : i32
    %multiple_of3A = tpu.assume_multiple %add3A_10, 8 : i32
    "tpu.region"() ({
      %run_scoped3A = tpu.sem_alloc : memref<!tpu.dma_semaphore, #tpu.memory_space<semaphore_mem>>
      %dma_start3A_261 = arith.constant 0 : i32
      %dma_start3A_262 = tpu.memref_slice %arg4[%multiple_of3A, %dma_start3A_261] : memref<8192x1024xf32, #tpu.memory_space<hbm>> -> memref<32x1024xf32, #tpu.memory_space<hbm>>
      %dma_start3A_263 = arith.constant 0 : i32
      %dma_start3A_264 = tpu.memref_slice %arg4[%multiple_of3A, %dma_start3A_263] : memref<8192x1024xf32, #tpu.memory_space<hbm>> -> memref<32x1024xf32, #tpu.memory_space<hbm>>
      tpu.enqueue_dma source(%dma_start3A_264 : memref<32x1024xf32, #tpu.memory_space<hbm>>) target(%arg7 : memref<32x1024xf32, #tpu.memory_space<vmem>>) target_semaphore(%run_scoped3A : memref<!tpu.dma_semaphore, #tpu.memory_space<semaphore_mem>>)
      %dma_wait3A_265 = arith.constant 0 : i32
      %dma_wait3A_266 = tpu.memref_slice %arg4[%multiple_of3A, %dma_wait3A_265] : memref<8192x1024xf32, #tpu.memory_space<hbm>> -> memref<32x1024xf32, #tpu.memory_space<hbm>>
      %dma_wait3A_267 = arith.constant 0 : i32
      %dma_wait3A_268 = tpu.memref_slice %arg4[%multiple_of3A, %dma_wait3A_267] : memref<8192x1024xf32, #tpu.memory_space<hbm>> -> memref<32x1024xf32, #tpu.memory_space<hbm>>
      tpu.wait_dma2 semaphore(%run_scoped3A : memref<!tpu.dma_semaphore, #tpu.memory_space<semaphore_mem>>) src(%dma_wait3A_268 : memref<32x1024xf32, #tpu.memory_space<hbm>>) dst(%arg7 : memref<32x1024xf32, #tpu.memory_space<vmem>>)
      tpu.yield
    }) : () -> ()
    %dma_start3A_11 = arith.constant 1 : i32
    %dma_start3A_12 = arith.constant 0 : i32
    %dma_start3A_13 = tpu.memref_slice %arg6[%dma_start3A_11, %dma_start3A_12] : memref<8x32xi32, #tpu.memory_space<vmem>> -> memref<1x32xi32, #tpu.memory_space<vmem>>
    %dma_start3A_14 = tpu.memref_squeeze %dma_start3A_13 : memref<1x32xi32, #tpu.memory_space<vmem>> -> memref<32xi32, #tpu.memory_space<vmem>>
    %dma_start3A_15 = arith.constant 0 : i32
    %dma_start3A_16 = arith.constant 0 : i32
    %dma_start3A_17 = tpu.memref_slice %arg3[%dma_start3A_15, %dma_start3A_16] : memref<100000x1024xf32, #tpu.memory_space<hbm>> -> memref<100000x1024xf32, #tpu.memory_space<hbm>>
    tpu.enqueue_indirect_dma source(%dma_start3A_17 : memref<100000x1024xf32, #tpu.memory_space<hbm>>) target(%arg9 : memref<32x1024xf32, #tpu.memory_space<vmem>>) offsets(%dma_start3A_14 : memref<32xi32, #tpu.memory_space<vmem>>) semaphore(%arg11 : memref<!tpu.dma_semaphore, #tpu.memory_space<semaphore_mem>>)
    %dma_wait3A = arith.constant 0 : i32
    %dma_wait3A_18 = arith.constant 0 : i32
    %dma_wait3A_19 = tpu.memref_slice %arg6[%dma_wait3A, %dma_wait3A_18] : memref<8x32xi32, #tpu.memory_space<vmem>> -> memref<1x32xi32, #tpu.memory_space<vmem>>
    %dma_wait3A_20 = tpu.memref_squeeze %dma_wait3A_19 : memref<1x32xi32, #tpu.memory_space<vmem>> -> memref<32xi32, #tpu.memory_space<vmem>>
    %dma_wait3A_21 = arith.constant 0 : i32
    %dma_wait3A_22 = arith.constant 0 : i32
    %dma_wait3A_23 = tpu.memref_slice %arg3[%dma_wait3A_21, %dma_wait3A_22] : memref<100000x1024xf32, #tpu.memory_space<hbm>> -> memref<100000x1024xf32, #tpu.memory_space<hbm>>
    tpu.wait_indirect_dma semaphore(%arg10 : memref<!tpu.dma_semaphore, #tpu.memory_space<semaphore_mem>>) src(%dma_wait3A_23 : memref<100000x1024xf32, #tpu.memory_space<hbm>>) dst(%arg8 : memref<32x1024xf32, #tpu.memory_space<vmem>>)
    %parallel_loop3A = arith.constant 0 : i32
    %parallel_loop3A_24 = arith.constant 2048 : i32
    %parallel_loop3A_25 = arith.constant 1 : i32
    scf.for %parallel_loop3A_261 = %parallel_loop3A to %parallel_loop3A_24 step %parallel_loop3A_25  : i32 {
      %parallel_loop3A_262 = arith.constant 6 : i32
      %parallel_loop3A_263 = arith.shrui %parallel_loop3A_261, %parallel_loop3A_262 : i32
      %parallel_loop3A_264 = arith.constant 63 : i32
      %parallel_loop3A_265 = arith.andi %parallel_loop3A_261, %parallel_loop3A_264 : i32
      %parallel_loop3A_266 = arith.constant 4 : i32
      %parallel_loop3A_267 = arith.shli %parallel_loop3A_265, %parallel_loop3A_266 : i32
      %parallel_loop3A_268 = tpu.assume_multiple %parallel_loop3A_267, 16 : i32
      %parallel_loop3A_269 = arith.constant 0 : i32
      %parallel_loop3A_270 = arith.addi %parallel_loop3A_269, %parallel_loop3A_263 : i32
      %parallel_loop3A_271 = arith.index_cast %parallel_loop3A_270 : i32 to index
      %parallel_loop3A_272 = arith.index_cast %parallel_loop3A_268 : i32 to index
      %parallel_loop3A_273 = tpu.vector_load %arg7[%parallel_loop3A_271, %parallel_loop3A_272] {strides = array<i32>} : memref<32x1024xf32, #tpu.memory_space<vmem>>, vector<1x16xf32>,
      %parallel_loop3A_274 = vector.shape_cast %parallel_loop3A_273 : vector<1x16xf32> to vector<16xf32>
      %parallel_loop3A_275 = arith.index_cast %parallel_loop3A_263 : i32 to index
      %parallel_loop3A_276 = arith.index_cast %parallel_loop3A_268 : i32 to index
      %parallel_loop3A_277 = tpu.vector_load %arg8[%parallel_loop3A_275, %parallel_loop3A_276] {strides = array<i32>} : memref<32x1024xf32, #tpu.memory_space<vmem>>, vector<1x16xf32>,
      %parallel_loop3A_278 = vector.shape_cast %parallel_loop3A_277 : vector<1x16xf32> to vector<16xf32>
      %parallel_loop3A_279 = vector.shape_cast %parallel_loop3A_274 : vector<16xf32> to vector<1x16xf32>
      tpu.vector_store %arg8[%parallel_loop3A_275, %parallel_loop3A_276], %parallel_loop3A_279 {add = true, strides = array<i32>} : memref<32x1024xf32, #tpu.memory_space<vmem>>, vector<1x16xf32>,
    } {sc.loop_unroll_factor = 4 : i64, sc.parallel_access}
    %add3A_26 = arith.constant 0 : i32
    %add3A_27 = arith.addi %mul3A_2, %add3A_26 : i32
    %add3A_28 = arith.constant 0 : i32
    %add3A_29 = arith.addi %add3A_27, %add3A_28 : i32
    %add3A_30 = arith.constant 0 : i32
    %add3A_31 = arith.addi %add3A_29, %add3A_30 : i32
    %multiple_of3A_32 = tpu.assume_multiple %add3A_31, 8 : i32
    %dma_start3A_33 = arith.constant 0 : i32
    %dma_start3A_34 = tpu.memref_slice %arg5[%multiple_of3A_32, %dma_start3A_33] : memref<8192x1024xf32, #tpu.memory_space<hbm>> -> memref<32x1024xf32, #tpu.memory_space<hbm>>
    %dma_start3A_35 = arith.constant 0 : i32
    %dma_start3A_36 = tpu.memref_slice %arg5[%multiple_of3A_32, %dma_start3A_35] : memref<8192x1024xf32, #tpu.memory_space<hbm>> -> memref<32x1024xf32, #tpu.memory_space<hbm>>
    tpu.enqueue_dma source(%arg8 : memref<32x1024xf32, #tpu.memory_space<vmem>>) target(%dma_start3A_36 : memref<32x1024xf32, #tpu.memory_space<hbm>>) target_semaphore(%arg12 : memref<!tpu.dma_semaphore, #tpu.memory_space<semaphore_mem>>)
    %dma_wait3A_37 = arith.constant 0 : i32
    %dma_wait3A_38 = tpu.memref_slice %arg5[%multiple_of3A_32, %dma_wait3A_37] : memref<8192x1024xf32, #tpu.memory_space<hbm>> -> memref<32x1024xf32, #tpu.memory_space<hbm>>
    %dma_wait3A_39 = arith.constant 0 : i32
    %dma_wait3A_40 = tpu.memref_slice %arg5[%multiple_of3A_32, %dma_wait3A_39] : memref<8192x1024xf32, #tpu.memory_space<hbm>> -> memref<32x1024xf32, #tpu.memory_space<hbm>>
    tpu.wait_dma2 semaphore(%arg12 : memref<!tpu.dma_semaphore, #tpu.memory_space<semaphore_mem>>) src(%arg8 : memref<32x1024xf32, #tpu.memory_space<vmem>>) dst(%dma_wait3A_40 : memref<32x1024xf32, #tpu.memory_space<hbm>>)
    %dma_start3A_41 = arith.constant 2 : i32
    %dma_start3A_42 = arith.constant 0 : i32
    %dma_start3A_43 = tpu.memref_slice %arg6[%dma_start3A_41, %dma_start3A_42] : memref<8x32xi32, #tpu.memory_space<vmem>> -> memref<1x32xi32, #tpu.memory_space<vmem>>
    %dma_start3A_44 = tpu.memref_squeeze %dma_start3A_43 : memref<1x32xi32, #tpu.memory_space<vmem>> -> memref<32xi32, #tpu.memory_space<vmem>>
    %dma_start3A_45 = arith.constant 0 : i32
    %dma_start3A_46 = arith.constant 0 : i32
    %dma_start3A_47 = tpu.memref_slice %arg3[%dma_start3A_45, %dma_start3A_46] : memref<100000x1024xf32, #tpu.memory_space<hbm>> -> memref<100000x1024xf32, #tpu.memory_space<hbm>>
    tpu.enqueue_indirect_dma source(%dma_start3A_47 : memref<100000x1024xf32, #tpu.memory_space<hbm>>) target(%arg8 : memref<32x1024xf32, #tpu.memory_space<vmem>>) offsets(%dma_start3A_44 : memref<32xi32, #tpu.memory_space<vmem>>) semaphore(%arg10 : memref<!tpu.dma_semaphore, #tpu.memory_space<semaphore_mem>>)
    %dma_wait3A_48 = arith.constant 1 : i32
    %dma_wait3A_49 = arith.constant 0 : i32
    %dma_wait3A_50 = tpu.memref_slice %arg6[%dma_wait3A_48, %dma_wait3A_49] : memref<8x32xi32, #tpu.memory_space<vmem>> -> memref<1x32xi32, #tpu.memory_space<vmem>>
    %dma_wait3A_51 = tpu.memref_squeeze %dma_wait3A_50 : memref<1x32xi32, #tpu.memory_space<vmem>> -> memref<32xi32, #tpu.memory_space<vmem>>
    %dma_wait3A_52 = arith.constant 0 : i32
    %dma_wait3A_53 = arith.constant 0 : i32
    %dma_wait3A_54 = tpu.memref_slice %arg3[%dma_wait3A_52, %dma_wait3A_53] : memref<100000x1024xf32, #tpu.memory_space<hbm>> -> memref<100000x1024xf32, #tpu.memory_space<hbm>>
    tpu.wait_indirect_dma semaphore(%arg11 : memref<!tpu.dma_semaphore, #tpu.memory_space<semaphore_mem>>) src(%dma_wait3A_54 : memref<100000x1024xf32, #tpu.memory_space<hbm>>) dst(%arg9 : memref<32x1024xf32, #tpu.memory_space<vmem>>)
    %parallel_loop3A_55 = arith.constant 0 : i32
    %parallel_loop3A_56 = arith.constant 2048 : i32
    %parallel_loop3A_57 = arith.constant 1 : i32
    scf.for %parallel_loop3A_261 = %parallel_loop3A_55 to %parallel_loop3A_56 step %parallel_loop3A_57  : i32 {
      %parallel_loop3A_262 = arith.constant 6 : i32
      %parallel_loop3A_263 = arith.shrui %parallel_loop3A_261, %parallel_loop3A_262 : i32
      %parallel_loop3A_264 = arith.constant 63 : i32
      %parallel_loop3A_265 = arith.andi %parallel_loop3A_261, %parallel_loop3A_264 : i32
      %parallel_loop3A_266 = arith.constant 4 : i32
      %parallel_loop3A_267 = arith.shli %parallel_loop3A_265, %parallel_loop3A_266 : i32
      %parallel_loop3A_268 = tpu.assume_multiple %parallel_loop3A_267, 16 : i32
      %parallel_loop3A_269 = arith.constant 0 : i32
      %parallel_loop3A_270 = arith.addi %parallel_loop3A_269, %parallel_loop3A_263 : i32
      %parallel_loop3A_271 = arith.index_cast %parallel_loop3A_270 : i32 to index
      %parallel_loop3A_272 = arith.index_cast %parallel_loop3A_268 : i32 to index
      %parallel_loop3A_273 = tpu.vector_load %arg7[%parallel_loop3A_271, %parallel_loop3A_272] {strides = array<i32>} : memref<32x1024xf32, #tpu.memory_space<vmem>>, vector<1x16xf32>,
      %parallel_loop3A_274 = vector.shape_cast %parallel_loop3A_273 : vector<1x16xf32> to vector<16xf32>
      %parallel_loop3A_275 = arith.index_cast %parallel_loop3A_263 : i32 to index
      %parallel_loop3A_276 = arith.index_cast %parallel_loop3A_268 : i32 to index
      %parallel_loop3A_277 = tpu.vector_load %arg9[%parallel_loop3A_275, %parallel_loop3A_276] {strides = array<i32>} : memref<32x1024xf32, #tpu.memory_space<vmem>>, vector<1x16xf32>,
      %parallel_loop3A_278 = vector.shape_cast %parallel_loop3A_277 : vector<1x16xf32> to vector<16xf32>
      %parallel_loop3A_279 = vector.shape_cast %parallel_loop3A_274 : vector<16xf32> to vector<1x16xf32>
      tpu.vector_store %arg9[%parallel_loop3A_275, %parallel_loop3A_276], %parallel_loop3A_279 {add = true, strides = array<i32>} : memref<32x1024xf32, #tpu.memory_space<vmem>>, vector<1x16xf32>,
    } {sc.loop_unroll_factor = 4 : i64, sc.parallel_access}
    %add3A_58 = arith.constant 2048 : i32
    %add3A_59 = arith.addi %mul3A_2, %add3A_58 : i32
    %add3A_60 = arith.constant 0 : i32
    %add3A_61 = arith.addi %add3A_59, %add3A_60 : i32
    %add3A_62 = arith.constant 0 : i32
    %add3A_63 = arith.addi %add3A_61, %add3A_62 : i32
    %multiple_of3A_64 = tpu.assume_multiple %add3A_63, 8 : i32
    %dma_start3A_65 = arith.constant 0 : i32
    %dma_start3A_66 = tpu.memref_slice %arg5[%multiple_of3A_64, %dma_start3A_65] : memref<8192x1024xf32, #tpu.memory_space<hbm>> -> memref<32x1024xf32, #tpu.memory_space<hbm>>
    %dma_start3A_67 = arith.constant 0 : i32
    %dma_start3A_68 = tpu.memref_slice %arg5[%multiple_of3A_64, %dma_start3A_67] : memref<8192x1024xf32, #tpu.memory_space<hbm>> -> memref<32x1024xf32, #tpu.memory_space<hbm>>
    tpu.enqueue_dma source(%arg9 : memref<32x1024xf32, #tpu.memory_space<vmem>>) target(%dma_start3A_68 : memref<32x1024xf32, #tpu.memory_space<hbm>>) target_semaphore(%arg13 : memref<!tpu.dma_semaphore, #tpu.memory_space<semaphore_mem>>)
    %dma_wait3A_69 = arith.constant 0 : i32
    %dma_wait3A_70 = tpu.memref_slice %arg5[%multiple_of3A_64, %dma_wait3A_69] : memref<8192x1024xf32, #tpu.memory_space<hbm>> -> memref<32x1024xf32, #tpu.memory_space<hbm>>
    %dma_wait3A_71 = arith.constant 0 : i32
    %dma_wait3A_72 = tpu.memref_slice %arg5[%multiple_of3A_64, %dma_wait3A_71] : memref<8192x1024xf32, #tpu.memory_space<hbm>> -> memref<32x1024xf32, #tpu.memory_space<hbm>>
    tpu.wait_dma2 semaphore(%arg13 : memref<!tpu.dma_semaphore, #tpu.memory_space<semaphore_mem>>) src(%arg9 : memref<32x1024xf32, #tpu.memory_space<vmem>>) dst(%dma_wait3A_72 : memref<32x1024xf32, #tpu.memory_space<hbm>>)
    %dma_start3A_73 = arith.constant 3 : i32
    %dma_start3A_74 = arith.constant 0 : i32
    %dma_start3A_75 = tpu.memref_slice %arg6[%dma_start3A_73, %dma_start3A_74] : memref<8x32xi32, #tpu.memory_space<vmem>> -> memref<1x32xi32, #tpu.memory_space<vmem>>
    %dma_start3A_76 = tpu.memref_squeeze %dma_start3A_75 : memref<1x32xi32, #tpu.memory_space<vmem>> -> memref<32xi32, #tpu.memory_space<vmem>>
    %dma_start3A_77 = arith.constant 0 : i32
    %dma_start3A_78 = arith.constant 0 : i32
    %dma_start3A_79 = tpu.memref_slice %arg3[%dma_start3A_77, %dma_start3A_78] : memref<100000x1024xf32, #tpu.memory_space<hbm>> -> memref<100000x1024xf32, #tpu.memory_space<hbm>>
    tpu.enqueue_indirect_dma source(%dma_start3A_79 : memref<100000x1024xf32, #tpu.memory_space<hbm>>) target(%arg9 : memref<32x1024xf32, #tpu.memory_space<vmem>>) offsets(%dma_start3A_76 : memref<32xi32, #tpu.memory_space<vmem>>) semaphore(%arg11 : memref<!tpu.dma_semaphore, #tpu.memory_space<semaphore_mem>>)
    %dma_wait3A_80 = arith.constant 2 : i32
    %dma_wait3A_81 = arith.constant 0 : i32
    %dma_wait3A_82 = tpu.memref_slice %arg6[%dma_wait3A_80, %dma_wait3A_81] : memref<8x32xi32, #tpu.memory_space<vmem>> -> memref<1x32xi32, #tpu.memory_space<vmem>>
    %dma_wait3A_83 = tpu.memref_squeeze %dma_wait3A_82 : memref<1x32xi32, #tpu.memory_space<vmem>> -> memref<32xi32, #tpu.memory_space<vmem>>
    %dma_wait3A_84 = arith.constant 0 : i32
    %dma_wait3A_85 = arith.constant 0 : i32
    %dma_wait3A_86 = tpu.memref_slice %arg3[%dma_wait3A_84, %dma_wait3A_85] : memref<100000x1024xf32, #tpu.memory_space<hbm>> -> memref<100000x1024xf32, #tpu.memory_space<hbm>>
    tpu.wait_indirect_dma semaphore(%arg10 : memref<!tpu.dma_semaphore, #tpu.memory_space<semaphore_mem>>) src(%dma_wait3A_86 : memref<100000x1024xf32, #tpu.memory_space<hbm>>) dst(%arg8 : memref<32x1024xf32, #tpu.memory_space<vmem>>)
    %parallel_loop3A_87 = arith.constant 0 : i32
    %parallel_loop3A_88 = arith.constant 2048 : i32
    %parallel_loop3A_89 = arith.constant 1 : i32
    scf.for %parallel_loop3A_261 = %parallel_loop3A_87 to %parallel_loop3A_88 step %parallel_loop3A_89  : i32 {
      %parallel_loop3A_262 = arith.constant 6 : i32
      %parallel_loop3A_263 = arith.shrui %parallel_loop3A_261, %parallel_loop3A_262 : i32
      %parallel_loop3A_264 = arith.constant 63 : i32
      %parallel_loop3A_265 = arith.andi %parallel_loop3A_261, %parallel_loop3A_264 : i32
      %parallel_loop3A_266 = arith.constant 4 : i32
      %parallel_loop3A_267 = arith.shli %parallel_loop3A_265, %parallel_loop3A_266 : i32
      %parallel_loop3A_268 = tpu.assume_multiple %parallel_loop3A_267, 16 : i32
      %parallel_loop3A_269 = arith.constant 0 : i32
      %parallel_loop3A_270 = arith.addi %parallel_loop3A_269, %parallel_loop3A_263 : i32
      %parallel_loop3A_271 = arith.index_cast %parallel_loop3A_270 : i32 to index
      %parallel_loop3A_272 = arith.index_cast %parallel_loop3A_268 : i32 to index
      %parallel_loop3A_273 = tpu.vector_load %arg7[%parallel_loop3A_271, %parallel_loop3A_272] {strides = array<i32>} : memref<32x1024xf32, #tpu.memory_space<vmem>>, vector<1x16xf32>,
      %parallel_loop3A_274 = vector.shape_cast %parallel_loop3A_273 : vector<1x16xf32> to vector<16xf32>
      %parallel_loop3A_275 = arith.index_cast %parallel_loop3A_263 : i32 to index
      %parallel_loop3A_276 = arith.index_cast %parallel_loop3A_268 : i32 to index
      %parallel_loop3A_277 = tpu.vector_load %arg8[%parallel_loop3A_275, %parallel_loop3A_276] {strides = array<i32>} : memref<32x1024xf32, #tpu.memory_space<vmem>>, vector<1x16xf32>,
      %parallel_loop3A_278 = vector.shape_cast %parallel_loop3A_277 : vector<1x16xf32> to vector<16xf32>
      %parallel_loop3A_279 = vector.shape_cast %parallel_loop3A_274 : vector<16xf32> to vector<1x16xf32>
      tpu.vector_store %arg8[%parallel_loop3A_275, %parallel_loop3A_276], %parallel_loop3A_279 {add = true, strides = array<i32>} : memref<32x1024xf32, #tpu.memory_space<vmem>>, vector<1x16xf32>,
    } {sc.loop_unroll_factor = 4 : i64, sc.parallel_access}
    %add3A_90 = arith.constant 4096 : i32
    %add3A_91 = arith.addi %mul3A_2, %add3A_90 : i32
    %add3A_92 = arith.constant 0 : i32
    %add3A_93 = arith.addi %add3A_91, %add3A_92 : i32
    %add3A_94 = arith.constant 0 : i32
    %add3A_95 = arith.addi %add3A_93, %add3A_94 : i32
    %multiple_of3A_96 = tpu.assume_multiple %add3A_95, 8 : i32
    %dma_start3A_97 = arith.constant 0 : i32
    %dma_start3A_98 = tpu.memref_slice %arg5[%multiple_of3A_96, %dma_start3A_97] : memref<8192x1024xf32, #tpu.memory_space<hbm>> -> memref<32x1024xf32, #tpu.memory_space<hbm>>
    %dma_start3A_99 = arith.constant 0 : i32
    %dma_start3A_100 = tpu.memref_slice %arg5[%multiple_of3A_96, %dma_start3A_99] : memref<8192x1024xf32, #tpu.memory_space<hbm>> -> memref<32x1024xf32, #tpu.memory_space<hbm>>
    tpu.enqueue_dma source(%arg8 : memref<32x1024xf32, #tpu.memory_space<vmem>>) target(%dma_start3A_100 : memref<32x1024xf32, #tpu.memory_space<hbm>>) target_semaphore(%arg12 : memref<!tpu.dma_semaphore, #tpu.memory_space<semaphore_mem>>)
    %dma_wait3A_101 = arith.constant 0 : i32
    %dma_wait3A_102 = tpu.memref_slice %arg5[%multiple_of3A_96, %dma_wait3A_101] : memref<8192x1024xf32, #tpu.memory_space<hbm>> -> memref<32x1024xf32, #tpu.memory_space<hbm>>
    %dma_wait3A_103 = arith.constant 0 : i32
    %dma_wait3A_104 = tpu.memref_slice %arg5[%multiple_of3A_96, %dma_wait3A_103] : memref<8192x1024xf32, #tpu.memory_space<hbm>> -> memref<32x1024xf32, #tpu.memory_space<hbm>>
    tpu.wait_dma2 semaphore(%arg12 : memref<!tpu.dma_semaphore, #tpu.memory_space<semaphore_mem>>) src(%arg8 : memref<32x1024xf32, #tpu.memory_space<vmem>>) dst(%dma_wait3A_104 : memref<32x1024xf32, #tpu.memory_space<hbm>>)
    %dma_start3A_105 = arith.constant 4 : i32
    %dma_start3A_106 = arith.constant 0 : i32
    %dma_start3A_107 = tpu.memref_slice %arg6[%dma_start3A_105, %dma_start3A_106] : memref<8x32xi32, #tpu.memory_space<vmem>> -> memref<1x32xi32, #tpu.memory_space<vmem>>
    %dma_start3A_108 = tpu.memref_squeeze %dma_start3A_107 : memref<1x32xi32, #tpu.memory_space<vmem>> -> memref<32xi32, #tpu.memory_space<vmem>>
    %dma_start3A_109 = arith.constant 0 : i32
    %dma_start3A_110 = arith.constant 0 : i32
    %dma_start3A_111 = tpu.memref_slice %arg3[%dma_start3A_109, %dma_start3A_110] : memref<100000x1024xf32, #tpu.memory_space<hbm>> -> memref<100000x1024xf32, #tpu.memory_space<hbm>>
    tpu.enqueue_indirect_dma source(%dma_start3A_111 : memref<100000x1024xf32, #tpu.memory_space<hbm>>) target(%arg8 : memref<32x1024xf32, #tpu.memory_space<vmem>>) offsets(%dma_start3A_108 : memref<32xi32, #tpu.memory_space<vmem>>) semaphore(%arg10 : memref<!tpu.dma_semaphore, #tpu.memory_space<semaphore_mem>>)
    %dma_wait3A_112 = arith.constant 3 : i32
    %dma_wait3A_113 = arith.constant 0 : i32
    %dma_wait3A_114 = tpu.memref_slice %arg6[%dma_wait3A_112, %dma_wait3A_113] : memref<8x32xi32, #tpu.memory_space<vmem>> -> memref<1x32xi32, #tpu.memory_space<vmem>>
    %dma_wait3A_115 = tpu.memref_squeeze %dma_wait3A_114 : memref<1x32xi32, #tpu.memory_space<vmem>> -> memref<32xi32, #tpu.memory_space<vmem>>
    %dma_wait3A_116 = arith.constant 0 : i32
    %dma_wait3A_117 = arith.constant 0 : i32
    %dma_wait3A_118 = tpu.memref_slice %arg3[%dma_wait3A_116, %dma_wait3A_117] : memref<100000x1024xf32, #tpu.memory_space<hbm>> -> memref<100000x1024xf32, #tpu.memory_space<hbm>>
    tpu.wait_indirect_dma semaphore(%arg11 : memref<!tpu.dma_semaphore, #tpu.memory_space<semaphore_mem>>) src(%dma_wait3A_118 : memref<100000x1024xf32, #tpu.memory_space<hbm>>) dst(%arg9 : memref<32x1024xf32, #tpu.memory_space<vmem>>)
    %parallel_loop3A_119 = arith.constant 0 : i32
    %parallel_loop3A_120 = arith.constant 2048 : i32
    %parallel_loop3A_121 = arith.constant 1 : i32
    scf.for %parallel_loop3A_261 = %parallel_loop3A_119 to %parallel_loop3A_120 step %parallel_loop3A_121  : i32 {
      %parallel_loop3A_262 = arith.constant 6 : i32
      %parallel_loop3A_263 = arith.shrui %parallel_loop3A_261, %parallel_loop3A_262 : i32
      %parallel_loop3A_264 = arith.constant 63 : i32
      %parallel_loop3A_265 = arith.andi %parallel_loop3A_261, %parallel_loop3A_264 : i32
      %parallel_loop3A_266 = arith.constant 4 : i32
      %parallel_loop3A_267 = arith.shli %parallel_loop3A_265, %parallel_loop3A_266 : i32
      %parallel_loop3A_268 = tpu.assume_multiple %parallel_loop3A_267, 16 : i32
      %parallel_loop3A_269 = arith.constant 0 : i32
      %parallel_loop3A_270 = arith.addi %parallel_loop3A_269, %parallel_loop3A_263 : i32
      %parallel_loop3A_271 = arith.index_cast %parallel_loop3A_270 : i32 to index
      %parallel_loop3A_272 = arith.index_cast %parallel_loop3A_268 : i32 to index
      %parallel_loop3A_273 = tpu.vector_load %arg7[%parallel_loop3A_271, %parallel_loop3A_272] {strides = array<i32>} : memref<32x1024xf32, #tpu.memory_space<vmem>>, vector<1x16xf32>,
      %parallel_loop3A_274 = vector.shape_cast %parallel_loop3A_273 : vector<1x16xf32> to vector<16xf32>
      %parallel_loop3A_275 = arith.index_cast %parallel_loop3A_263 : i32 to index
      %parallel_loop3A_276 = arith.index_cast %parallel_loop3A_268 : i32 to index
      %parallel_loop3A_277 = tpu.vector_load %arg9[%parallel_loop3A_275, %parallel_loop3A_276] {strides = array<i32>} : memref<32x1024xf32, #tpu.memory_space<vmem>>, vector<1x16xf32>,
      %parallel_loop3A_278 = vector.shape_cast %parallel_loop3A_277 : vector<1x16xf32> to vector<16xf32>
      %parallel_loop3A_279 = vector.shape_cast %parallel_loop3A_274 : vector<16xf32> to vector<1x16xf32>
      tpu.vector_store %arg9[%parallel_loop3A_275, %parallel_loop3A_276], %parallel_loop3A_279 {add = true, strides = array<i32>} : memref<32x1024xf32, #tpu.memory_space<vmem>>, vector<1x16xf32>,
    } {sc.loop_unroll_factor = 4 : i64, sc.parallel_access}
    %add3A_122 = arith.constant 6144 : i32
    %add3A_123 = arith.addi %mul3A_2, %add3A_122 : i32
    %add3A_124 = arith.constant 0 : i32
    %add3A_125 = arith.addi %add3A_123, %add3A_124 : i32
    %add3A_126 = arith.constant 0 : i32
    %add3A_127 = arith.addi %add3A_125, %add3A_126 : i32
    %multiple_of3A_128 = tpu.assume_multiple %add3A_127, 8 : i32
    %dma_start3A_129 = arith.constant 0 : i32
    %dma_start3A_130 = tpu.memref_slice %arg5[%multiple_of3A_128, %dma_start3A_129] : memref<8192x1024xf32, #tpu.memory_space<hbm>> -> memref<32x1024xf32, #tpu.memory_space<hbm>>
    %dma_start3A_131 = arith.constant 0 : i32
    %dma_start3A_132 = tpu.memref_slice %arg5[%multiple_of3A_128, %dma_start3A_131] : memref<8192x1024xf32, #tpu.memory_space<hbm>> -> memref<32x1024xf32, #tpu.memory_space<hbm>>
    tpu.enqueue_dma source(%arg9 : memref<32x1024xf32, #tpu.memory_space<vmem>>) target(%dma_start3A_132 : memref<32x1024xf32, #tpu.memory_space<hbm>>) target_semaphore(%arg13 : memref<!tpu.dma_semaphore, #tpu.memory_space<semaphore_mem>>)
    %add3A_133 = arith.constant 32 : i32
    %add3A_134 = arith.addi %mul3A_2, %add3A_133 : i32
    %multiple_of3A_135 = tpu.assume_multiple %add3A_134, 8 : i32
    "tpu.region"() ({
      %run_scoped3A = tpu.sem_alloc : memref<!tpu.dma_semaphore, #tpu.memory_space<semaphore_mem>>
      %dma_start3A_261 = arith.constant 0 : i32
      %dma_start3A_262 = tpu.memref_slice %arg4[%multiple_of3A_135, %dma_start3A_261] : memref<8192x1024xf32, #tpu.memory_space<hbm>> -> memref<32x1024xf32, #tpu.memory_space<hbm>>
      %dma_start3A_263 = arith.constant 0 : i32
      %dma_start3A_264 = tpu.memref_slice %arg4[%multiple_of3A_135, %dma_start3A_263] : memref<8192x1024xf32, #tpu.memory_space<hbm>> -> memref<32x1024xf32, #tpu.memory_space<hbm>>
      tpu.enqueue_dma source(%dma_start3A_264 : memref<32x1024xf32, #tpu.memory_space<hbm>>) target(%arg7 : memref<32x1024xf32, #tpu.memory_space<vmem>>) target_semaphore(%run_scoped3A : memref<!tpu.dma_semaphore, #tpu.memory_space<semaphore_mem>>)
      %dma_wait3A_265 = arith.constant 0 : i32
      %dma_wait3A_266 = tpu.memref_slice %arg4[%multiple_of3A_135, %dma_wait3A_265] : memref<8192x1024xf32, #tpu.memory_space<hbm>> -> memref<32x1024xf32, #tpu.memory_space<hbm>>
      %dma_wait3A_267 = arith.constant 0 : i32
      %dma_wait3A_268 = tpu.memref_slice %arg4[%multiple_of3A_135, %dma_wait3A_267] : memref<8192x1024xf32, #tpu.memory_space<hbm>> -> memref<32x1024xf32, #tpu.memory_space<hbm>>
      tpu.wait_dma2 semaphore(%run_scoped3A : memref<!tpu.dma_semaphore, #tpu.memory_space<semaphore_mem>>) src(%dma_wait3A_268 : memref<32x1024xf32, #tpu.memory_space<hbm>>) dst(%arg7 : memref<32x1024xf32, #tpu.memory_space<vmem>>)
      tpu.yield
    }) : () -> ()
    %dma_wait3A_136 = arith.constant 0 : i32
    %dma_wait3A_137 = tpu.memref_slice %arg5[%multiple_of3A_128, %dma_wait3A_136] : memref<8192x1024xf32, #tpu.memory_space<hbm>> -> memref<32x1024xf32, #tpu.memory_space<hbm>>
    %dma_wait3A_138 = arith.constant 0 : i32
    %dma_wait3A_139 = tpu.memref_slice %arg5[%multiple_of3A_128, %dma_wait3A_138] : memref<8192x1024xf32, #tpu.memory_space<hbm>> -> memref<32x1024xf32, #tpu.memory_space<hbm>>
    tpu.wait_dma2 semaphore(%arg13 : memref<!tpu.dma_semaphore, #tpu.memory_space<semaphore_mem>>) src(%arg9 : memref<32x1024xf32, #tpu.memory_space<vmem>>) dst(%dma_wait3A_139 : memref<32x1024xf32, #tpu.memory_space<hbm>>)
    %dma_start3A_140 = arith.constant 5 : i32
    %dma_start3A_141 = arith.constant 0 : i32
    %dma_start3A_142 = tpu.memref_slice %arg6[%dma_start3A_140, %dma_start3A_141] : memref<8x32xi32, #tpu.memory_space<vmem>> -> memref<1x32xi32, #tpu.memory_space<vmem>>
    %dma_start3A_143 = tpu.memref_squeeze %dma_start3A_142 : memref<1x32xi32, #tpu.memory_space<vmem>> -> memref<32xi32, #tpu.memory_space<vmem>>
    %dma_start3A_144 = arith.constant 0 : i32
    %dma_start3A_145 = arith.constant 0 : i32
    %dma_start3A_146 = tpu.memref_slice %arg3[%dma_start3A_144, %dma_start3A_145] : memref<100000x1024xf32, #tpu.memory_space<hbm>> -> memref<100000x1024xf32, #tpu.memory_space<hbm>>
    tpu.enqueue_indirect_dma source(%dma_start3A_146 : memref<100000x1024xf32, #tpu.memory_space<hbm>>) target(%arg9 : memref<32x1024xf32, #tpu.memory_space<vmem>>) offsets(%dma_start3A_143 : memref<32xi32, #tpu.memory_space<vmem>>) semaphore(%arg11 : memref<!tpu.dma_semaphore, #tpu.memory_space<semaphore_mem>>)
    %dma_wait3A_147 = arith.constant 4 : i32
    %dma_wait3A_148 = arith.constant 0 : i32
    %dma_wait3A_149 = tpu.memref_slice %arg6[%dma_wait3A_147, %dma_wait3A_148] : memref<8x32xi32, #tpu.memory_space<vmem>> -> memref<1x32xi32, #tpu.memory_space<vmem>>
    %dma_wait3A_150 = tpu.memref_squeeze %dma_wait3A_149 : memref<1x32xi32, #tpu.memory_space<vmem>> -> memref<32xi32, #tpu.memory_space<vmem>>
    %dma_wait3A_151 = arith.constant 0 : i32
    %dma_wait3A_152 = arith.constant 0 : i32
    %dma_wait3A_153 = tpu.memref_slice %arg3[%dma_wait3A_151, %dma_wait3A_152] : memref<100000x1024xf32, #tpu.memory_space<hbm>> -> memref<100000x1024xf32, #tpu.memory_space<hbm>>
    tpu.wait_indirect_dma semaphore(%arg10 : memref<!tpu.dma_semaphore, #tpu.memory_space<semaphore_mem>>) src(%dma_wait3A_153 : memref<100000x1024xf32, #tpu.memory_space<hbm>>) dst(%arg8 : memref<32x1024xf32, #tpu.memory_space<vmem>>)
    %parallel_loop3A_154 = arith.constant 0 : i32
    %parallel_loop3A_155 = arith.constant 2048 : i32
    %parallel_loop3A_156 = arith.constant 1 : i32
    scf.for %parallel_loop3A_261 = %parallel_loop3A_154 to %parallel_loop3A_155 step %parallel_loop3A_156  : i32 {
      %parallel_loop3A_262 = arith.constant 6 : i32
      %parallel_loop3A_263 = arith.shrui %parallel_loop3A_261, %parallel_loop3A_262 : i32
      %parallel_loop3A_264 = arith.constant 63 : i32
      %parallel_loop3A_265 = arith.andi %parallel_loop3A_261, %parallel_loop3A_264 : i32
      %parallel_loop3A_266 = arith.constant 4 : i32
      %parallel_loop3A_267 = arith.shli %parallel_loop3A_265, %parallel_loop3A_266 : i32
      %parallel_loop3A_268 = tpu.assume_multiple %parallel_loop3A_267, 16 : i32
      %parallel_loop3A_269 = arith.constant 0 : i32
      %parallel_loop3A_270 = arith.addi %parallel_loop3A_269, %parallel_loop3A_263 : i32
      %parallel_loop3A_271 = arith.index_cast %parallel_loop3A_270 : i32 to index
      %parallel_loop3A_272 = arith.index_cast %parallel_loop3A_268 : i32 to index
      %parallel_loop3A_273 = tpu.vector_load %arg7[%parallel_loop3A_271, %parallel_loop3A_272] {strides = array<i32>} : memref<32x1024xf32, #tpu.memory_space<vmem>>, vector<1x16xf32>,
      %parallel_loop3A_274 = vector.shape_cast %parallel_loop3A_273 : vector<1x16xf32> to vector<16xf32>
      %parallel_loop3A_275 = arith.index_cast %parallel_loop3A_263 : i32 to index
      %parallel_loop3A_276 = arith.index_cast %parallel_loop3A_268 : i32 to index
      %parallel_loop3A_277 = tpu.vector_load %arg8[%parallel_loop3A_275, %parallel_loop3A_276] {strides = array<i32>} : memref<32x1024xf32, #tpu.memory_space<vmem>>, vector<1x16xf32>,
      %parallel_loop3A_278 = vector.shape_cast %parallel_loop3A_277 : vector<1x16xf32> to vector<16xf32>
      %parallel_loop3A_279 = vector.shape_cast %parallel_loop3A_274 : vector<16xf32> to vector<1x16xf32>
      tpu.vector_store %arg8[%parallel_loop3A_275, %parallel_loop3A_276], %parallel_loop3A_279 {add = true, strides = array<i32>} : memref<32x1024xf32, #tpu.memory_space<vmem>>, vector<1x16xf32>,
    } {sc.loop_unroll_factor = 4 : i64, sc.parallel_access}
    %add3A_157 = arith.constant 0 : i32
    %add3A_158 = arith.addi %mul3A_2, %add3A_157 : i32
    %add3A_159 = arith.constant 32 : i32
    %add3A_160 = arith.addi %add3A_158, %add3A_159 : i32
    %add3A_161 = arith.constant 0 : i32
    %add3A_162 = arith.addi %add3A_160, %add3A_161 : i32
    %multiple_of3A_163 = tpu.assume_multiple %add3A_162, 8 : i32
    %dma_start3A_164 = arith.constant 0 : i32
    %dma_start3A_165 = tpu.memref_slice %arg5[%multiple_of3A_163, %dma_start3A_164] : memref<8192x1024xf32, #tpu.memory_space<hbm>> -> memref<32x1024xf32, #tpu.memory_space<hbm>>
    %dma_start3A_166 = arith.constant 0 : i32
    %dma_start3A_167 = tpu.memref_slice %arg5[%multiple_of3A_163, %dma_start3A_166] : memref<8192x1024xf32, #tpu.memory_space<hbm>> -> memref<32x1024xf32, #tpu.memory_space<hbm>>
    tpu.enqueue_dma source(%arg8 : memref<32x1024xf32, #tpu.memory_space<vmem>>) target(%dma_start3A_167 : memref<32x1024xf32, #tpu.memory_space<hbm>>) target_semaphore(%arg12 : memref<!tpu.dma_semaphore, #tpu.memory_space<semaphore_mem>>)
    %dma_wait3A_168 = arith.constant 0 : i32
    %dma_wait3A_169 = tpu.memref_slice %arg5[%multiple_of3A_163, %dma_wait3A_168] : memref<8192x1024xf32, #tpu.memory_space<hbm>> -> memref<32x1024xf32, #tpu.memory_space<hbm>>
    %dma_wait3A_170 = arith.constant 0 : i32
    %dma_wait3A_171 = tpu.memref_slice %arg5[%multiple_of3A_163, %dma_wait3A_170] : memref<8192x1024xf32, #tpu.memory_space<hbm>> -> memref<32x1024xf32, #tpu.memory_space<hbm>>
    tpu.wait_dma2 semaphore(%arg12 : memref<!tpu.dma_semaphore, #tpu.memory_space<semaphore_mem>>) src(%arg8 : memref<32x1024xf32, #tpu.memory_space<vmem>>) dst(%dma_wait3A_171 : memref<32x1024xf32, #tpu.memory_space<hbm>>)
    %dma_start3A_172 = arith.constant 6 : i32
    %dma_start3A_173 = arith.constant 0 : i32
    %dma_start3A_174 = tpu.memref_slice %arg6[%dma_start3A_172, %dma_start3A_173] : memref<8x32xi32, #tpu.memory_space<vmem>> -> memref<1x32xi32, #tpu.memory_space<vmem>>
    %dma_start3A_175 = tpu.memref_squeeze %dma_start3A_174 : memref<1x32xi32, #tpu.memory_space<vmem>> -> memref<32xi32, #tpu.memory_space<vmem>>
    %dma_start3A_176 = arith.constant 0 : i32
    %dma_start3A_177 = arith.constant 0 : i32
    %dma_start3A_178 = tpu.memref_slice %arg3[%dma_start3A_176, %dma_start3A_177] : memref<100000x1024xf32, #tpu.memory_space<hbm>> -> memref<100000x1024xf32, #tpu.memory_space<hbm>>
    tpu.enqueue_indirect_dma source(%dma_start3A_178 : memref<100000x1024xf32, #tpu.memory_space<hbm>>) target(%arg8 : memref<32x1024xf32, #tpu.memory_space<vmem>>) offsets(%dma_start3A_175 : memref<32xi32, #tpu.memory_space<vmem>>) semaphore(%arg10 : memref<!tpu.dma_semaphore, #tpu.memory_space<semaphore_mem>>)
    %dma_wait3A_179 = arith.constant 5 : i32
    %dma_wait3A_180 = arith.constant 0 : i32
    %dma_wait3A_181 = tpu.memref_slice %arg6[%dma_wait3A_179, %dma_wait3A_180] : memref<8x32xi32, #tpu.memory_space<vmem>> -> memref<1x32xi32, #tpu.memory_space<vmem>>
    %dma_wait3A_182 = tpu.memref_squeeze %dma_wait3A_181 : memref<1x32xi32, #tpu.memory_space<vmem>> -> memref<32xi32, #tpu.memory_space<vmem>>
    %dma_wait3A_183 = arith.constant 0 : i32
    %dma_wait3A_184 = arith.constant 0 : i32
    %dma_wait3A_185 = tpu.memref_slice %arg3[%dma_wait3A_183, %dma_wait3A_184] : memref<100000x1024xf32, #tpu.memory_space<hbm>> -> memref<100000x1024xf32, #tpu.memory_space<hbm>>
    tpu.wait_indirect_dma semaphore(%arg11 : memref<!tpu.dma_semaphore, #tpu.memory_space<semaphore_mem>>) src(%dma_wait3A_185 : memref<100000x1024xf32, #tpu.memory_space<hbm>>) dst(%arg9 : memref<32x1024xf32, #tpu.memory_space<vmem>>)
    %parallel_loop3A_186 = arith.constant 0 : i32
    %parallel_loop3A_187 = arith.constant 2048 : i32
    %parallel_loop3A_188 = arith.constant 1 : i32
    scf.for %parallel_loop3A_261 = %parallel_loop3A_186 to %parallel_loop3A_187 step %parallel_loop3A_188  : i32 {
      %parallel_loop3A_262 = arith.constant 6 : i32
      %parallel_loop3A_263 = arith.shrui %parallel_loop3A_261, %parallel_loop3A_262 : i32
      %parallel_loop3A_264 = arith.constant 63 : i32
      %parallel_loop3A_265 = arith.andi %parallel_loop3A_261, %parallel_loop3A_264 : i32
      %parallel_loop3A_266 = arith.constant 4 : i32
      %parallel_loop3A_267 = arith.shli %parallel_loop3A_265, %parallel_loop3A_266 : i32
      %parallel_loop3A_268 = tpu.assume_multiple %parallel_loop3A_267, 16 : i32
      %parallel_loop3A_269 = arith.constant 0 : i32
      %parallel_loop3A_270 = arith.addi %parallel_loop3A_269, %parallel_loop3A_263 : i32
      %parallel_loop3A_271 = arith.index_cast %parallel_loop3A_270 : i32 to index
      %parallel_loop3A_272 = arith.index_cast %parallel_loop3A_268 : i32 to index
      %parallel_loop3A_273 = tpu.vector_load %arg7[%parallel_loop3A_271, %parallel_loop3A_272] {strides = array<i32>} : memref<32x1024xf32, #tpu.memory_space<vmem>>, vector<1x16xf32>,
      %parallel_loop3A_274 = vector.shape_cast %parallel_loop3A_273 : vector<1x16xf32> to vector<16xf32>
      %parallel_loop3A_275 = arith.index_cast %parallel_loop3A_263 : i32 to index
      %parallel_loop3A_276 = arith.index_cast %parallel_loop3A_268 : i32 to index
      %parallel_loop3A_277 = tpu.vector_load %arg9[%parallel_loop3A_275, %parallel_loop3A_276] {strides = array<i32>} : memref<32x1024xf32, #tpu.memory_space<vmem>>, vector<1x16xf32>,
      %parallel_loop3A_278 = vector.shape_cast %parallel_loop3A_277 : vector<1x16xf32> to vector<16xf32>
      %parallel_loop3A_279 = vector.shape_cast %parallel_loop3A_274 : vector<16xf32> to vector<1x16xf32>
      tpu.vector_store %arg9[%parallel_loop3A_275, %parallel_loop3A_276], %parallel_loop3A_279 {add = true, strides = array<i32>} : memref<32x1024xf32, #tpu.memory_space<vmem>>, vector<1x16xf32>,
    } {sc.loop_unroll_factor = 4 : i64, sc.parallel_access}
    %add3A_189 = arith.constant 2048 : i32
    %add3A_190 = arith.addi %mul3A_2, %add3A_189 : i32
    %add3A_191 = arith.constant 32 : i32
    %add3A_192 = arith.addi %add3A_190, %add3A_191 : i32
    %add3A_193 = arith.constant 0 : i32
    %add3A_194 = arith.addi %add3A_192, %add3A_193 : i32
    %multiple_of3A_195 = tpu.assume_multiple %add3A_194, 8 : i32
    %dma_start3A_196 = arith.constant 0 : i32
    %dma_start3A_197 = tpu.memref_slice %arg5[%multiple_of3A_195, %dma_start3A_196] : memref<8192x1024xf32, #tpu.memory_space<hbm>> -> memref<32x1024xf32, #tpu.memory_space<hbm>>
    %dma_start3A_198 = arith.constant 0 : i32
    %dma_start3A_199 = tpu.memref_slice %arg5[%multiple_of3A_195, %dma_start3A_198] : memref<8192x1024xf32, #tpu.memory_space<hbm>> -> memref<32x1024xf32, #tpu.memory_space<hbm>>
    tpu.enqueue_dma source(%arg9 : memref<32x1024xf32, #tpu.memory_space<vmem>>) target(%dma_start3A_199 : memref<32x1024xf32, #tpu.memory_space<hbm>>) target_semaphore(%arg13 : memref<!tpu.dma_semaphore, #tpu.memory_space<semaphore_mem>>)
    %dma_wait3A_200 = arith.constant 0 : i32
    %dma_wait3A_201 = tpu.memref_slice %arg5[%multiple_of3A_195, %dma_wait3A_200] : memref<8192x1024xf32, #tpu.memory_space<hbm>> -> memref<32x1024xf32, #tpu.memory_space<hbm>>
    %dma_wait3A_202 = arith.constant 0 : i32
    %dma_wait3A_203 = tpu.memref_slice %arg5[%multiple_of3A_195, %dma_wait3A_202] : memref<8192x1024xf32, #tpu.memory_space<hbm>> -> memref<32x1024xf32, #tpu.memory_space<hbm>>
    tpu.wait_dma2 semaphore(%arg13 : memref<!tpu.dma_semaphore, #tpu.memory_space<semaphore_mem>>) src(%arg9 : memref<32x1024xf32, #tpu.memory_space<vmem>>) dst(%dma_wait3A_203 : memref<32x1024xf32, #tpu.memory_space<hbm>>)
    %dma_start3A_204 = arith.constant 7 : i32
    %dma_start3A_205 = arith.constant 0 : i32
    %dma_start3A_206 = tpu.memref_slice %arg6[%dma_start3A_204, %dma_start3A_205] : memref<8x32xi32, #tpu.memory_space<vmem>> -> memref<1x32xi32, #tpu.memory_space<vmem>>
    %dma_start3A_207 = tpu.memref_squeeze %dma_start3A_206 : memref<1x32xi32, #tpu.memory_space<vmem>> -> memref<32xi32, #tpu.memory_space<vmem>>
    %dma_start3A_208 = arith.constant 0 : i32
    %dma_start3A_209 = arith.constant 0 : i32
    %dma_start3A_210 = tpu.memref_slice %arg3[%dma_start3A_208, %dma_start3A_209] : memref<100000x1024xf32, #tpu.memory_space<hbm>> -> memref<100000x1024xf32, #tpu.memory_space<hbm>>
    tpu.enqueue_indirect_dma source(%dma_start3A_210 : memref<100000x1024xf32, #tpu.memory_space<hbm>>) target(%arg9 : memref<32x1024xf32, #tpu.memory_space<vmem>>) offsets(%dma_start3A_207 : memref<32xi32, #tpu.memory_space<vmem>>) semaphore(%arg11 : memref<!tpu.dma_semaphore, #tpu.memory_space<semaphore_mem>>)
    %dma_wait3A_211 = arith.constant 6 : i32
    %dma_wait3A_212 = arith.constant 0 : i32
    %dma_wait3A_213 = tpu.memref_slice %arg6[%dma_wait3A_211, %dma_wait3A_212] : memref<8x32xi32, #tpu.memory_space<vmem>> -> memref<1x32xi32, #tpu.memory_space<vmem>>
    %dma_wait3A_214 = tpu.memref_squeeze %dma_wait3A_213 : memref<1x32xi32, #tpu.memory_space<vmem>> -> memref<32xi32, #tpu.memory_space<vmem>>
    %dma_wait3A_215 = arith.constant 0 : i32
    %dma_wait3A_216 = arith.constant 0 : i32
    %dma_wait3A_217 = tpu.memref_slice %arg3[%dma_wait3A_215, %dma_wait3A_216] : memref<100000x1024xf32, #tpu.memory_space<hbm>> -> memref<100000x1024xf32, #tpu.memory_space<hbm>>
    tpu.wait_indirect_dma semaphore(%arg10 : memref<!tpu.dma_semaphore, #tpu.memory_space<semaphore_mem>>) src(%dma_wait3A_217 : memref<100000x1024xf32, #tpu.memory_space<hbm>>) dst(%arg8 : memref<32x1024xf32, #tpu.memory_space<vmem>>)
    %parallel_loop3A_218 = arith.constant 0 : i32
    %parallel_loop3A_219 = arith.constant 2048 : i32
    %parallel_loop3A_220 = arith.constant 1 : i32
    scf.for %parallel_loop3A_261 = %parallel_loop3A_218 to %parallel_loop3A_219 step %parallel_loop3A_220  : i32 {
      %parallel_loop3A_262 = arith.constant 6 : i32
      %parallel_loop3A_263 = arith.shrui %parallel_loop3A_261, %parallel_loop3A_262 : i32
      %parallel_loop3A_264 = arith.constant 63 : i32
      %parallel_loop3A_265 = arith.andi %parallel_loop3A_261, %parallel_loop3A_264 : i32
      %parallel_loop3A_266 = arith.constant 4 : i32
      %parallel_loop3A_267 = arith.shli %parallel_loop3A_265, %parallel_loop3A_266 : i32
      %parallel_loop3A_268 = tpu.assume_multiple %parallel_loop3A_267, 16 : i32
      %parallel_loop3A_269 = arith.constant 0 : i32
      %parallel_loop3A_270 = arith.addi %parallel_loop3A_269, %parallel_loop3A_263 : i32
      %parallel_loop3A_271 = arith.index_cast %parallel_loop3A_270 : i32 to index
      %parallel_loop3A_272 = arith.index_cast %parallel_loop3A_268 : i32 to index
      %parallel_loop3A_273 = tpu.vector_load %arg7[%parallel_loop3A_271, %parallel_loop3A_272] {strides = array<i32>} : memref<32x1024xf32, #tpu.memory_space<vmem>>, vector<1x16xf32>,
      %parallel_loop3A_274 = vector.shape_cast %parallel_loop3A_273 : vector<1x16xf32> to vector<16xf32>
      %parallel_loop3A_275 = arith.index_cast %parallel_loop3A_263 : i32 to index
      %parallel_loop3A_276 = arith.index_cast %parallel_loop3A_268 : i32 to index
      %parallel_loop3A_277 = tpu.vector_load %arg8[%parallel_loop3A_275, %parallel_loop3A_276] {strides = array<i32>} : memref<32x1024xf32, #tpu.memory_space<vmem>>, vector<1x16xf32>,
      %parallel_loop3A_278 = vector.shape_cast %parallel_loop3A_277 : vector<1x16xf32> to vector<16xf32>
      %parallel_loop3A_279 = vector.shape_cast %parallel_loop3A_274 : vector<16xf32> to vector<1x16xf32>
      tpu.vector_store %arg8[%parallel_loop3A_275, %parallel_loop3A_276], %parallel_loop3A_279 {add = true, strides = array<i32>} : memref<32x1024xf32, #tpu.memory_space<vmem>>, vector<1x16xf32>,
    } {sc.loop_unroll_factor = 4 : i64, sc.parallel_access}
    %add3A_221 = arith.constant 4096 : i32
    %add3A_222 = arith.addi %mul3A_2, %add3A_221 : i32
    %add3A_223 = arith.constant 32 : i32
    %add3A_224 = arith.addi %add3A_222, %add3A_223 : i32
    %add3A_225 = arith.constant 0 : i32
    %add3A_226 = arith.addi %add3A_224, %add3A_225 : i32
    %multiple_of3A_227 = tpu.assume_multiple %add3A_226, 8 : i32
    %dma_start3A_228 = arith.constant 0 : i32
    %dma_start3A_229 = tpu.memref_slice %arg5[%multiple_of3A_227, %dma_start3A_228] : memref<8192x1024xf32, #tpu.memory_space<hbm>> -> memref<32x1024xf32, #tpu.memory_space<hbm>>
    %dma_start3A_230 = arith.constant 0 : i32
    %dma_start3A_231 = tpu.memref_slice %arg5[%multiple_of3A_227, %dma_start3A_230] : memref<8192x1024xf32, #tpu.memory_space<hbm>> -> memref<32x1024xf32, #tpu.memory_space<hbm>>
    tpu.enqueue_dma source(%arg8 : memref<32x1024xf32, #tpu.memory_space<vmem>>) target(%dma_start3A_231 : memref<32x1024xf32, #tpu.memory_space<hbm>>) target_semaphore(%arg12 : memref<!tpu.dma_semaphore, #tpu.memory_space<semaphore_mem>>)
    %dma_wait3A_232 = arith.constant 7 : i32
    %dma_wait3A_233 = arith.constant 0 : i32
    %dma_wait3A_234 = tpu.memref_slice %arg6[%dma_wait3A_232, %dma_wait3A_233] : memref<8x32xi32, #tpu.memory_space<vmem>> -> memref<1x32xi32, #tpu.memory_space<vmem>>
    %dma_wait3A_235 = tpu.memref_squeeze %dma_wait3A_234 : memref<1x32xi32, #tpu.memory_space<vmem>> -> memref<32xi32, #tpu.memory_space<vmem>>
    %dma_wait3A_236 = arith.constant 0 : i32
    %dma_wait3A_237 = arith.constant 0 : i32
    %dma_wait3A_238 = tpu.memref_slice %arg3[%dma_wait3A_236, %dma_wait3A_237] : memref<100000x1024xf32, #tpu.memory_space<hbm>> -> memref<100000x1024xf32, #tpu.memory_space<hbm>>
    tpu.wait_indirect_dma semaphore(%arg11 : memref<!tpu.dma_semaphore, #tpu.memory_space<semaphore_mem>>) src(%dma_wait3A_238 : memref<100000x1024xf32, #tpu.memory_space<hbm>>) dst(%arg9 : memref<32x1024xf32, #tpu.memory_space<vmem>>)
    %parallel_loop3A_239 = arith.constant 0 : i32
    %parallel_loop3A_240 = arith.constant 2048 : i32
    %parallel_loop3A_241 = arith.constant 1 : i32
    scf.for %parallel_loop3A_261 = %parallel_loop3A_239 to %parallel_loop3A_240 step %parallel_loop3A_241  : i32 {
      %parallel_loop3A_262 = arith.constant 6 : i32
      %parallel_loop3A_263 = arith.shrui %parallel_loop3A_261, %parallel_loop3A_262 : i32
      %parallel_loop3A_264 = arith.constant 63 : i32
      %parallel_loop3A_265 = arith.andi %parallel_loop3A_261, %parallel_loop3A_264 : i32
      %parallel_loop3A_266 = arith.constant 4 : i32
      %parallel_loop3A_267 = arith.shli %parallel_loop3A_265, %parallel_loop3A_266 : i32
      %parallel_loop3A_268 = tpu.assume_multiple %parallel_loop3A_267, 16 : i32
      %parallel_loop3A_269 = arith.constant 0 : i32
      %parallel_loop3A_270 = arith.addi %parallel_loop3A_269, %parallel_loop3A_263 : i32
      %parallel_loop3A_271 = arith.index_cast %parallel_loop3A_270 : i32 to index
      %parallel_loop3A_272 = arith.index_cast %parallel_loop3A_268 : i32 to index
      %parallel_loop3A_273 = tpu.vector_load %arg7[%parallel_loop3A_271, %parallel_loop3A_272] {strides = array<i32>} : memref<32x1024xf32, #tpu.memory_space<vmem>>, vector<1x16xf32>,
      %parallel_loop3A_274 = vector.shape_cast %parallel_loop3A_273 : vector<1x16xf32> to vector<16xf32>
      %parallel_loop3A_275 = arith.index_cast %parallel_loop3A_263 : i32 to index
      %parallel_loop3A_276 = arith.index_cast %parallel_loop3A_268 : i32 to index
      %parallel_loop3A_277 = tpu.vector_load %arg9[%parallel_loop3A_275, %parallel_loop3A_276] {strides = array<i32>} : memref<32x1024xf32, #tpu.memory_space<vmem>>, vector<1x16xf32>,
      %parallel_loop3A_278 = vector.shape_cast %parallel_loop3A_277 : vector<1x16xf32> to vector<16xf32>
      %parallel_loop3A_279 = vector.shape_cast %parallel_loop3A_274 : vector<16xf32> to vector<1x16xf32>
      tpu.vector_store %arg9[%parallel_loop3A_275, %parallel_loop3A_276], %parallel_loop3A_279 {add = true, strides = array<i32>} : memref<32x1024xf32, #tpu.memory_space<vmem>>, vector<1x16xf32>,
    } {sc.loop_unroll_factor = 4 : i64, sc.parallel_access}
    %add3A_242 = arith.constant 6144 : i32
    %add3A_243 = arith.addi %mul3A_2, %add3A_242 : i32
    %add3A_244 = arith.constant 32 : i32
    %add3A_245 = arith.addi %add3A_243, %add3A_244 : i32
    %add3A_246 = arith.constant 0 : i32
    %add3A_247 = arith.addi %add3A_245, %add3A_246 : i32
    %multiple_of3A_248 = tpu.assume_multiple %add3A_247, 8 : i32
    %dma_start3A_249 = arith.constant 0 : i32
    %dma_start3A_250 = tpu.memref_slice %arg5[%multiple_of3A_248, %dma_start3A_249] : memref<8192x1024xf32, #tpu.memory_space<hbm>> -> memref<32x1024xf32, #tpu.memory_space<hbm>>
    %dma_start3A_251 = arith.constant 0 : i32
    %dma_start3A_252 = tpu.memref_slice %arg5[%multiple_of3A_248, %dma_start3A_251] : memref<8192x1024xf32, #tpu.memory_space<hbm>> -> memref<32x1024xf32, #tpu.memory_space<hbm>>
    tpu.enqueue_dma source(%arg9 : memref<32x1024xf32, #tpu.memory_space<vmem>>) target(%dma_start3A_252 : memref<32x1024xf32, #tpu.memory_space<hbm>>) target_semaphore(%arg13 : memref<!tpu.dma_semaphore, #tpu.memory_space<semaphore_mem>>)
    %dma_wait3A_253 = arith.constant 0 : i32
    %dma_wait3A_254 = tpu.memref_slice %arg5[%multiple_of3A_227, %dma_wait3A_253] : memref<8192x1024xf32, #tpu.memory_space<hbm>> -> memref<32x1024xf32, #tpu.memory_space<hbm>>
    %dma_wait3A_255 = arith.constant 0 : i32
    %dma_wait3A_256 = tpu.memref_slice %arg5[%multiple_of3A_227, %dma_wait3A_255] : memref<8192x1024xf32, #tpu.memory_space<hbm>> -> memref<32x1024xf32, #tpu.memory_space<hbm>>
    tpu.wait_dma2 semaphore(%arg12 : memref<!tpu.dma_semaphore, #tpu.memory_space<semaphore_mem>>) src(%arg8 : memref<32x1024xf32, #tpu.memory_space<vmem>>) dst(%dma_wait3A_256 : memref<32x1024xf32, #tpu.memory_space<hbm>>)
    %dma_wait3A_257 = arith.constant 0 : i32
    %dma_wait3A_258 = tpu.memref_slice %arg5[%multiple_of3A_248, %dma_wait3A_257] : memref<8192x1024xf32, #tpu.memory_space<hbm>> -> memref<32x1024xf32, #tpu.memory_space<hbm>>
    %dma_wait3A_259 = arith.constant 0 : i32
    %dma_wait3A_260 = tpu.memref_slice %arg5[%multiple_of3A_248, %dma_wait3A_259] : memref<8192x1024xf32, #tpu.memory_space<hbm>> -> memref<32x1024xf32, #tpu.memory_space<hbm>>
    tpu.wait_dma2 semaphore(%arg13 : memref<!tpu.dma_semaphore, #tpu.memory_space<semaphore_mem>>) src(%arg9 : memref<32x1024xf32, #tpu.memory_space<vmem>>) dst(%dma_wait3A_260 : memref<32x1024xf32, #tpu.memory_space<hbm>>)
    return
  }
}

</mosaic_0001>

<sc_bundles>
// kernel: kernel.3.cloned.1.call-start
scs
__scs_entry_jumppad:
0x0: {  	(pc) =	sbr.rel $0x88, $3  }
0x1: {  	(tag) =	ssettag $0x0;
	lr =	simm.s32 $0x1  }
0x2: {  	[smem:$0x3F9E] =	sst lr;
	_ =	strace $0xD0000000  }
0x3: {  	_ = 	snop  }
0x4: {  	_ = 	snop  }
0x5: {  	_ = 	snop  }
0x6: {  	_ = 	snop  }
0x7: {  	_ = 	snop  }
__scs_overlays_trampoline_lowered:
0x8: {  	[smem:$0x3FAD] =	sst s0  }
0x9: {  	[smem:$0x3FAE] =	sst s1  }
0xa: {  	[smem:$0x3FAF] =	sst s2  }
0xb: {  	[smem:$0x3FB0] =	sst s3  }
0xc: {  	[smem:$0x3FB1] =	sst s4  }
0xd: {  	[smem:$0x3FB2] =	sst s5  }
0xe: {  	[smem:$0x3FB3] =	sst s6  }
0xf: {  	[smem:$0x3FB4] =	sst s7  }
0x10: {  	[smem:$0x3FB5] =	sst s8  }
0x11: {  	[smem:$0x3FB6] =	sst s9;
	s0 =	simm.s32 @!p0 $0x0  }
0x12: {  	s1 =	sld [smem:$0x3F9C];
	s0 =	simm.s32 @p0 $0x1  }
0x13: {  	[smem:$0x3FB7] =	sst s0;
	s0 =	simm.s32 @!p1 $0x0  }
0x14: {  	s2 =	sld [smem:$0x3F9B];
	s0 =	simm.s32 @p1 $0x1  }
0x15: {  	[smem:$0x3FB8] =	sst s0;
	s0 =	simm.s32 @!p2 $0x0  }
0x16: {  	s3 =	sld [smem:$0x3FDB];
	s0 =	simm.s32 @p2 $0x1  }
0x17: {  	s4 =	simm.s32 $0x1BF5;
	[smem:$0x3FBA] =	sst s0  }
0x18: {  	s0 =	sld [smem:$0x3F9D];
	_ =	swait.ge [sflag:s4], $0x0  }
0x19: {  	s7 =	sld [smem:$0x3F9E]  }
0x1a: {  	s8 =	sadd.s32 $0xFFFFE003, lr  }
0x1b: {  	s9 =	sadd.s32 $0xFFFFFEF7, lr;
	s5 =	simm.s32 $0xFFFFFFFF;
	p2 =	slt.u32 s8, $0xFFFFF086  }
0x1c: {  	p1 =	slt.u32 s9, $0xF7A;
	s5 =	simm.s32 @!p2 $0x0  }
0x1d: {  	s5 =	simm.s32 @p1 $0x1;
	p0 =	seq.s32 s7, s2  }
0x1e: {  	s7 =	smul.u32 @!p0 $0xF7A, s2;
	p2 =	seq.s32 @!p0 s5, $0x0  }
0x1f: {  	s9 =	smul.u32 $0xF7A, s1;
	s8 =	simm.s32 @!p0 $0x1BF5;
	p2 =	por !p2, p0  }
0x20: {  	[sflag:s8] =	ssyncset.s32 @!p0 $0xFFFFF086;
	s6 =	sadd.s32 @!p0 s3, s7;
	s7 =	simm.s32 @!p0 $0x108  }
0x21: {  	s3 =	sadd.s32 s3, s9;
	s6 =	sadd.s32 @!p0 $0x88, s6;
	s7 =	simm.s32 @p2 $0x1082  }
0x22: {  	[simem:s7], [sflag:s8] =	dma.local @!p0 [hbm:s6], $0xF7A  }
0x23: {  	s9 =	sor.u32 $0xD0000000, s2;
	s6 =	simm.s32 $0x108;
	_ =	swait.ge @!p0 [sflag:s8], $0x0  }
0x24: {  	s3 =	sadd.s32 $0x88, s3;
	s6 =	simm.s32 @!p1 $0x1082;
	[sflag:s4] =	ssyncset.s32 $0xFFFFF086  }
0x25: {  	[simem:s6], [sflag:s4] =	dma.local [hbm:s3], $0xF7A  }
0x26: {  	[smem:$0x3F9E] =	sst s1;
	(tag) =	ssettag s2;
	_ =	strace s9  }
0x27: {  	s1 =	sld [smem:$0x3FAE]  }
0x28: {  	s2 =	sld [smem:$0x3FAF]  }
0x29: {  	s4 =	sld [smem:$0x3FB1]  }
0x2a: {  	p0 =	seq.s32 s5, $0x0;
	s5 =	sld [smem:$0x3FB2]  }
0x2b: {  	s6 =	sld [smem:$0x3FB3]  }
0x2c: {  	s7 =	sld [smem:$0x3FB4]  }
0x2d: {  	s3 =	simm.s32 $0x108;
	s8 =	sld [smem:$0x3FB5]  }
0x2e: {  	s3 =	simm.s32 @!p0 $0x1082;
	s9 =	sld [smem:$0x3FB6]  }
0x2f: {  	lr =	sadd.s32 s0, s3;
	s0 =	sld [smem:$0x3FAD]  }
0x30: {  	s3 =	sld [smem:$0x3FB0]  }
0x31: {  	[smem:$0x3FB9] =	sst s10  }
0x32: {  	s10 =	sld [smem:$0x3FB7];
	_ =	sdelay $0x3  }
0x33: {  	p0 =	seq.s32 s10, $0x1;
	s10 =	sld [smem:$0x3FB9];
	_ =	sdelay $0x3  }
0x34: {  	[smem:$0x3FB9] =	sst s10  }
0x35: {  	s10 =	sld [smem:$0x3FB8];
	_ =	sdelay $0x3  }
0x36: {  	p1 =	seq.s32 s10, $0x1;
	s10 =	sld [smem:$0x3FB9];
	_ =	sdelay $0x3  }
0x37: {  	[smem:$0x3FB9] =	sst s10  }
0x38: {  	s10 =	sld [smem:$0x3FBA]  }
0x39: {  	_ = 	snop;
	(pc) =	sbr.ind lr, $3  }
0x3a: {  	_ = 	snop  }
0x3b: {  	_ = 	snop  }
0x3c: {  	p2 =	seq.s32 s10, $0x1;
	s10 =	sld [smem:$0x3FB9]  }
0x3d: {  	_ =	shalt  }
0x3e: {  	_ =	shalt  }
0x3f: {  	_ =	shalt  }
0x40: {  	_ =	shalt  }
0x41: {  	_ =	shalt  }
0x42: {  	_ =	shalt  }
0x43: {  	_ =	shalt  }
0x44: {  	_ =	shalt  }
0x45: {  	_ =	shalt  }
0x46: {  	_ =	shalt  }
0x47: {  	_ =	shalt  }
0x48: {  	_ =	shalt  }
0x49: {  	_ =	shalt  }
0x4a: {  	_ =	shalt  }
0x4b: {  	_ =	shalt  }
0x4c: {  	_ =	shalt  }
0x4d: {  	_ =	shalt  }
0x4e: {  	_ =	shalt  }
0x4f: {  	_ =	shalt  }
0x50: {  	_ =	shalt  }
0x51: {  	_ =	shalt  }
0x52: {  	_ =	shalt  }
0x53: {  	_ =	shalt  }
0x54: {  	_ =	shalt  }
0x55: {  	_ =	shalt  }
0x56: {  	_ =	shalt  }
0x57: {  	_ =	shalt  }
0x58: {  	_ =	shalt  }
0x59: {  	_ =	shalt  }
0x5a: {  	_ =	shalt  }
0x5b: {  	_ =	shalt  }
0x5c: {  	_ =	shalt  }
0x5d: {  	_ =	shalt  }
0x5e: {  	_ =	shalt  }
0x5f: {  	_ =	shalt  }
0x60: {  	_ =	shalt  }
0x61: {  	_ =	shalt  }
0x62: {  	_ =	shalt  }
0x63: {  	_ =	shalt  }
0x64: {  	_ =	shalt  }
0x65: {  	_ =	shalt  }
0x66: {  	_ =	shalt  }
0x67: {  	_ =	shalt  }
0x68: {  	_ =	shalt  }
0x69: {  	_ =	shalt  }
0x6a: {  	_ =	shalt  }
0x6b: {  	_ =	shalt  }
0x6c: {  	_ =	shalt  }
0x6d: {  	_ =	shalt  }
0x6e: {  	_ =	shalt  }
0x6f: {  	_ =	shalt  }
0x70: {  	_ =	shalt  }
0x71: {  	_ =	shalt  }
0x72: {  	_ =	shalt  }
0x73: {  	_ =	shalt  }
0x74: {  	_ =	shalt  }
0x75: {  	_ =	shalt  }
0x76: {  	_ =	shalt  }
0x77: {  	_ =	shalt  }
0x78: {  	_ =	shalt  }
0x79: {  	_ =	shalt  }
0x7a: {  	_ =	shalt  }
0x7b: {  	_ =	shalt  }
0x7c: {  	_ =	shalt  }
0x7d: {  	_ =	shalt  }
0x7e: {  	_ =	shalt  }
0x7f: {  	_ =	shalt  }
0x80: {  	_ =	shalt  }
0x81: {  	_ =	shalt  }
0x82: {  	_ =	shalt  }
0x83: {  	_ =	shalt  }
0x84: {  	_ =	shalt  }
0x85: {  	_ =	shalt  }
0x86: {  	_ =	shalt  }
0x87: {  	_ =	shalt  }
.Lfunc_end0:
.L_simem_size_0:
called_computation_lowered:
.L_overlay_start_0:
0x88: {  	s2 =	sld [smem:$0x3FD9]  }
0x89: {  	s3 =	sld [smem:$0x3FFE];
	_ =	sdelay $0x1  }
0x8a: {  	s1 =	srdreg.scid  }
0x8b: {  	s0 =	sand.u32 $0x1, s1  }
0x8c: {  	s17 =	sshll.u32 s0, $0xA;
	s2 =	sadd.s32 s3, s2  }
0x8d: {  	s2 =	sadd.s32 s2, s17  }
0x8e: {  	[smem:$0x3FC5] =	sst s2  }
0x8f: {  	_ = 	snop  }
0x90: {  	s2 =	sld [smem:$0x3FC8]  }
0x91: {  	s18 =	sld [smem:$0x3FC7]  }
0x92: {  	s4 =	sld [smem:$0x3FD0];
	(tm) =	ssettm $0x1  }
0x93: {  	s5 =	sld [smem:$0x3FFB];
	_ =	sdelay $0x3  }
0x94: {  	_ =	strace s5  }
0x95: {  	s5 =	sld [smem:$0x3FFC];
	_ =	sdelay $0x3  }
0x96: {  	_ =	strace s5  }
0x97: {  	s5 =	sld [smem:$0x3FFD];
	_ =	sdelay $0x3  }
0x98: {  	_ =	strace s5  }
0x99: {  	_ =	strace $0x8FFFFFFF  }
0x9a: {  	s19 =	sld [smem:$0x3FDB];
	_ =	sdelay $0x1  }
0x9b: {  	s6 =	simm.s32 $_scs_section_size  }
0x9c: {  	s7 =	simm.s32 $_size__tile_overlayer_lowered;
	s8 =	simm.s32 $_tile_overlayer_lowered  }
0x9d: {  	s22 =	simm.s32 $0x1BFF;
	s21 =	sshll.u32 s8, $0x1;
	s5 =	sadd.s32 s6, s19  }
0x9e: {  	s9 =	simm.s32 $0x0;
	s20 =	sshll.u32 s7, $0x1;
	s7 =	sadd.s32 s21, s5  }
0x9f: {  	[timem:s9], [sflag:s22] =	dma.local [hbm:s7], s20  }
0xa0: {  	_ =	swait.ge [sflag:s22], s20  }
0xa1: {  	s6 =	ssub.s32 $0x0, s20;
	[sflag:s22] =	ssyncset.done $0x0  }
0xa2: {  	[sflag:s22] =	ssyncadd.s32 s6;
	_ =	sdelay $0x1  }
0xa3: {  	s23 =	simm.s32 $0x1B8B  }
0xa4: {  	_ =	swait.ge [sflag:s23], $0x1  }
0xa5: {  	[sflag:s23] =	ssyncset.done $0x0  }
0xa6: {  	s25 =	simm.s32 $0x1B8E;
	s24 =	sld [smem:$0x3FFE];
	[sflag:s23] =	ssyncadd.s32 $0xFFFFFFFF  }
0xa7: {  	s26 =	simm.s32 $execute0_lowered;
	[smem:$0x3FD2] =	sst s25  }
0xa8: {  	s7 =	sshll.u32 s26, $0x1;
	_ =	strace $0x80000046;
	[dreg:$0x1] =	wrdreg $0xFFFFFFFF  }
0xa9: {  	s28 =	simm.s32 $_size_execute0_lowered;
	s5 =	sadd.s32 s5, s7;
	[dreg:$0x0] =	wrdreg $0x0  }
0xaa: {  	s7 =	sshll.u32 s28, $0x1;
	[dreg:$0x2] =	wrdreg s5  }
0xab: {  	[dreg:$0x3] =	wrdreg s7  }
0xac: {  	[dreg:$0x4] =	wrdreg $0xC0  }
0xad: {  	_ =	task [dreg:s9], $0x5FFFF  }
0xae: {  	[dreg:$0x1] =	wrdreg $0xFFFFFFFF  }
0xaf: {  	[dreg:$0x0] =	wrdreg $0x60  }
0xb0: {  	[dreg:$0x2] =	wrdreg s24  }
0xb1: {  	[dreg:$0x3] =	wrdreg s2  }
0xb2: {  	[dreg:$0x4] =	wrdreg s18  }
0xb3: {  	[dreg:$0x5] =	wrdreg s4  }
0xb4: {  	[dreg:$0x6] =	wrdreg $0x9  }
0xb5: {  	_ =	task.clear_ibuf [dreg:s9], $0x7FFFF;
	_ =	strace $0x90000046  }
0xb6: {  	s29 =	simm.s32 $0x9;
	_ =	strace $0x80000048  }
0xb7: {  	_ =	swait.ge [sflag:s29], $0x1  }
0xb8: {  	[sflag:s29] =	ssyncadd.s32 $0xFFFFFFFF  }
0xb9: {  	_ =	strace $0x90000048  }
0xba: {  	_ =	sfence  }
0xbb: {  	s30 =	sld [smem:$0x0];
	_ =	sdelay $0x2  }
0xbc: {  	s31 =	sshll.u32 s1, $0xD;
	s1 =	sshrl.u32 s1, $0x2  }
0xbd: {  	s3 =	sand.u32 $0x4000, s31;
	s1 =	sadd.s32 s1, s30  }
0xbe: {  	s0 =	sor.u32 s3, s0;
	s1 =	sshll.u32 s1, $0x11  }
0xbf: {  	s0 =	sor.u32 s1, s0  }
0xc0: {  	s0 =	sadd.s32 $0x8F2B, s0  }
0xc1: {  	[sflag:s0] =	ssyncadd.remote.s32 $0x1  }
0xc2: {  	_ =	sfence.sel $0xFFFF  }
0xc3: {  	[dreg:$0x0] =	wrdreg $0xFFFFFFFF;
	(pc) =	sbr.abs _section_cstart, $3  }
0xc4: {  	[dreg:$0x1] =	wrdreg $0xFFFFFFFF  }
0xc5: {  	_ =	task.clear_ibuf [dreg:s9], $0x2FFFF;
	_ =	strace $0x9FFFFFFF  }
0xc6: {  	(tm) =	ssettm $0x7FFFFFFF  }
0xc7: {  	_ =	shalt  }
tec
execute0_lowered:
.L_overlay_start_1:
0x0: {  	(tag) =	ssettag $0x1  }
0x1: {  	s0 =	rddreg [dreg:$0x0]  }
0x2: {  	s1 =	rddreg [dreg:$0x1]  }
0x3: {  	s2 =	rddreg [dreg:$0x2];
	s3 =	srdreg.scid  }
0x4: {  	s6 =	stileid.u32;
	s4 =	rddreg [dreg:$0x3];
	s12 =	simm.s32 $0x10400  }
0x5: {  	s11 =	simm.s32 $0x13C00;
	s28 =	simm.s32 $0x17C00;
	s29 =	simm.s32 $0x1  }
0x6: {  	s30 =	simm.s32 $0x3;
	s5 =	sand.u32 $0x1, s3;
	s6 =	sshll.u32 s6, $0x1  }
0x7: {  	s31 =	simm.s32 $0x2;
	s3 =	simm.s32 $0x0;
	s6 =	sor.u32 s5, s6  }
0x8: {  	s8 =	sadd.s32 $0x300, s1;
	[smem:$0x7FF] =	sst s3;
	s9 =	sshll.u32 s6, $0xD  }
0x9: {  	s7 =	sshll.u32 s6, $0x7;
	_ =	strace $0x80000047;
	s18 =	sadd.s32 s2, s9  }
0xa: {  	s0 =	sadd.s32 s7, s0;
	s10 =	sadd.s32 s4, s9;
	[dreg:$0x7] =	wrdreg s18  }
0xb: {  	s5 =	ssub.s32 $0x2, s5;
	s0 =	sadd.s32 $0x400, s0;
	[dreg:$0x6] =	wrdreg s10  }
0xc: {  	s17 =	sshrl.u32 s5, $0x1;
	s19 =	sadd.s32 $0x40000, s10;
	[dreg:$0x5] =	wrdreg s0  }
0xd: {  	s6 =	sadd.s32 $0x200, s1;
	s20 =	sadd.s32 $0x80000, s10;
	[dreg:$0x8] =	wrdreg s19  }
0xe: {  	s22 =	sor.u32 $0x1000, s9;
	s21 =	sadd.s32 $0xC0000, s10;
	[dreg:$0x9] =	wrdreg s20  }
0xf: {  	s7 =	ssub.s32 s5, s17;
	s2 =	sadd.s32 s2, s22;
	[dreg:$0xa] =	wrdreg s21  }
0x10: {  	s5 =	sadd.s32 $0x100, s1;
	s23 =	sadd.s32 $0x41000, s10;
	[dreg:$0xb] =	wrdreg s2  }
0x11: {  	s24 =	sadd.s32 $0x81000, s10;
	s25 =	sadd.s32 $0xC1000, s10;
	[dreg:$0xd] =	wrdreg s23  }
0x12: {  	s26 =	smax.u32 s7, $0x1;
	s18 =	simm.s32 $0x13400;
	[dreg:$0xe] =	wrdreg s24  }
0x13: {  	s7 =	simm.s32 $0x14400;
	s0 =	sadd.s32 s4, s22;
	[dreg:$0xf] =	wrdreg s25  }
0x14: {  	[dreg:$0x10] =	wrdreg s26;
	s19 =	simm.s32 $0x5;
	s20 =	simm.s32 $0x8400  }
0x15: {  	v2 =	vlaneseq.u32;
	s21 =	simm.s32 $0x14C00;
	s22 =	simm.s32 $0x15400;
	s23 =	simm.s32 $0x15C00  }
0x16: {  	vm0 =	vmmov $0xffff;
	v1 =	vshrl.u32 v2, $0x3;
	s24 =	simm.s32 $0x16400;
	s25 =	simm.s32 $0x16C00;
	s26 =	simm.s32 $0x17400  }
0x17: {  	v0 =	vand.u32 $0x7, v2;
	v2 =	vor.u32 $0x8, v2;
	v1 =	vmul.u32 $0x8, v1;
	s2 =	simm.s32 $0x4;
	[dreg:$0xc] =	wrdreg s0;
	s0 =	simm.s32 $0x0  }
.LBB2_1:
0x18: {  	s4 =	rddreg [dreg:$0x5]  }
0x19: {  	[tilespmem:s3], [sflag:$0x5] =	stream.linear.gather [hbm4b:s4+s3], $0x400, $0x38;
	[tilespmem:$0x18400] =	vst v63  }
0x1a: {  	_ =	swait.ge [sflag:s19], $0x400  }
0x1b: {  	[sflag:s19] =	ssyncset.done $0x0  }
0x1c: {  	[sflag:s19] =	ssyncadd.s32 $0xFFFFFC00  }
0x1d: {  	v3 =	vld [tilespmem:$0x0];
	_ =	sdelay $0x4  }
0x1e: {  	v4 =	vshll.u32 v3, $0x3  }
0x1f: {  	v3 =	vand.u32 $0x7, v3;
	v4 =	vand.u32 $0xFFFFFFC0, v4  }
0x20: {  	v3 =	vor.u32 v3, v4  }
0x21: {  	v4 =	vperm.xlane v3, v0;
	_ =	sdelay $0x1  }
0x22: {  	v4 =	vadd.s32 v1, v4;
	_ =	sdelay $0x4  }
0x23: {  	[tilespmem:s20], [sflag:$0x1] =	stream.indirect_vreg.gather [hbm4b:s1+s3], $0x80, v4, vm0, $0xb8;
	[tilespmem:$0x18400] =	vst v63  }
0x24: {  	s13 =	simm.s32 $0x8C00;
	v3 =	vperm.xlane v3, v2  }
0x25: {  	[tilespmem:s13], [sflag:$0x1] =	stream.indirect_vreg.gather [hbm4b:s5+s3], $0x80, v4, vm0, $0xb8;
	[tilespmem:$0x18400] =	vst v63  }
0x26: {  	s14 =	simm.s32 $0x9400;
	v3 =	vadd.s32 v1, v3  }
0x27: {  	[tilespmem:s14], [sflag:$0x1] =	stream.indirect_vreg.gather [hbm4b:s6+s3], $0x80, v4, vm0, $0xb8;
	[tilespmem:$0x18400] =	vst v63  }
0x28: {  	s15 =	simm.s32 $0x9C00  }
0x29: {  	[tilespmem:s15], [sflag:$0x1] =	stream.indirect_vreg.gather [hbm4b:s8+s3], $0x80, v4, vm0, $0xb8;
	[tilespmem:$0x18400] =	vst v63  }
0x2a: {  	s16 =	simm.s32 $0xA400  }
0x2b: {  	[tilespmem:s16], [sflag:$0x1] =	stream.indirect_vreg.gather [hbm4b:s1+s3], $0x80, v3, vm0, $0xb8;
	[tilespmem:$0x18400] =	vst v63  }
0x2c: {  	s17 =	simm.s32 $0xAC00  }
0x2d: {  	[tilespmem:s17], [sflag:$0x1] =	stream.indirect_vreg.gather [hbm4b:s5+s3], $0x80, v3, vm0, $0xb8;
	[tilespmem:$0x18400] =	vst v63  }
0x2e: {  	s9 =	simm.s32 $0xB400  }
0x2f: {  	[tilespmem:s9], [sflag:$0x1] =	stream.indirect_vreg.gather [hbm4b:s6+s3], $0x80, v3, vm0, $0xb8;
	[tilespmem:$0x18400] =	vst v63  }
0x30: {  	s10 =	simm.s32 $0xBC00  }
0x31: {  	[tilespmem:s10], [sflag:$0x1] =	stream.indirect_vreg.gather [hbm4b:s8+s3], $0x80, v3, vm0, $0xb8;
	[tilespmem:$0x18400] =	vst v63  }
0x32: {  	v3 =	vld [tilespmem:$0x10];
	_ =	sdelay $0x4  }
0x33: {  	v4 =	vshll.u32 v3, $0x3  }
0x34: {  	v3 =	vand.u32 $0x7, v3;
	v4 =	vand.u32 $0xFFFFFFC0, v4  }
0x35: {  	v3 =	vor.u32 v3, v4  }
0x36: {  	v4 =	vperm.xlane v3, v0;
	_ =	sdelay $0x1  }
0x37: {  	v4 =	vadd.s32 v1, v4;
	_ =	sdelay $0x3  }
0x38: {  	s13 =	simm.s32 $0xC400  }
0x39: {  	[tilespmem:s13], [sflag:$0x1] =	stream.indirect_vreg.gather [hbm4b:s1+s3], $0x80, v4, vm0, $0xb8;
	[tilespmem:$0x18400] =	vst v63  }
0x3a: {  	s14 =	simm.s32 $0xCC00;
	v3 =	vperm.xlane v3, v2  }
0x3b: {  	[tilespmem:s14], [sflag:$0x1] =	stream.indirect_vreg.gather [hbm4b:s5+s3], $0x80, v4, vm0, $0xb8;
	[tilespmem:$0x18400] =	vst v63  }
0x3c: {  	s15 =	simm.s32 $0xD400;
	v3 =	vadd.s32 v1, v3  }
0x3d: {  	[tilespmem:s15], [sflag:$0x1] =	stream.indirect_vreg.gather [hbm4b:s6+s3], $0x80, v4, vm0, $0xb8;
	[tilespmem:$0x18400] =	vst v63  }
0x3e: {  	s16 =	simm.s32 $0xDC00  }
0x3f: {  	[tilespmem:s16], [sflag:$0x1] =	stream.indirect_vreg.gather [hbm4b:s8+s3], $0x80, v4, vm0, $0xb8;
	[tilespmem:$0x18400] =	vst v63  }
0x40: {  	s17 =	simm.s32 $0xE400  }
0x41: {  	[tilespmem:s17], [sflag:$0x1] =	stream.indirect_vreg.gather [hbm4b:s1+s3], $0x80, v3, vm0, $0xb8;
	[tilespmem:$0x18400] =	vst v63  }
0x42: {  	s9 =	simm.s32 $0xEC00  }
0x43: {  	[tilespmem:s9], [sflag:$0x1] =	stream.indirect_vreg.gather [hbm4b:s5+s3], $0x80, v3, vm0, $0xb8;
	[tilespmem:$0x18400] =	vst v63  }
0x44: {  	s10 =	simm.s32 $0xF400  }
0x45: {  	[tilespmem:s10], [sflag:$0x1] =	stream.indirect_vreg.gather [hbm4b:s6+s3], $0x80, v3, vm0, $0xb8;
	[tilespmem:$0x18400] =	vst v63  }
0x46: {  	s13 =	simm.s32 $0xFC00  }
0x47: {  	[tilespmem:s13], [sflag:$0x1] =	stream.indirect_vreg.gather [hbm4b:s8+s3], $0x80, v3, vm0, $0xb8;
	[tilespmem:$0x18400] =	vst v63  }
0x48: {  	s14 =	rddreg [dreg:$0x7];
	s9 =	simm.s32 $0x400  }
0x49: {  	[tilespmem:s9], [sflag:$0x5] =	stream.linear.gather [hbm4b:s14+s3], $0x8000, $0x38;
	[tilespmem:$0x18400] =	vst v63  }
0x4a: {  	_ =	swait.ge [sflag:s19], $0x8000  }
0x4b: {  	[sflag:s19] =	ssyncset.done $0x0  }
0x4c: {  	[sflag:s19] =	ssyncadd.s32 $0xFFFF8000  }
0x4d: {  	v3 =	vld [tilespmem:$0x80];
	_ =	sdelay $0x4  }
0x4e: {  	v4 =	vshll.u32 v3, $0x3  }
0x4f: {  	v3 =	vand.u32 $0x7, v3;
	v4 =	vand.u32 $0xFFFFFFC0, v4  }
0x50: {  	v3 =	vor.u32 v3, v4  }
0x51: {  	v4 =	vperm.xlane v3, v0;
	_ =	sdelay $0x1  }
0x52: {  	v4 =	vadd.s32 v1, v4;
	_ =	sdelay $0x4  }
0x53: {  	[tilespmem:s12], [sflag:$0x2] =	stream.indirect_vreg.gather [hbm4b:s1+s3], $0x80, v4, vm0, $0xb8;
	[tilespmem:$0x18400] =	vst v63  }
0x54: {  	s15 =	simm.s32 $0x10C00;
	v3 =	vperm.xlane v3, v2  }
0x55: {  	[tilespmem:s15], [sflag:$0x2] =	stream.indirect_vreg.gather [hbm4b:s5+s3], $0x80, v4, vm0, $0xb8;
	[tilespmem:$0x18400] =	vst v63  }
0x56: {  	s16 =	simm.s32 $0x11400;
	v3 =	vadd.s32 v1, v3  }
0x57: {  	[tilespmem:s16], [sflag:$0x2] =	stream.indirect_vreg.gather [hbm4b:s6+s3], $0x80, v4, vm0, $0xb8;
	[tilespmem:$0x18400] =	vst v63  }
0x58: {  	s17 =	simm.s32 $0x11C00  }
0x59: {  	[tilespmem:s17], [sflag:$0x2] =	stream.indirect_vreg.gather [hbm4b:s8+s3], $0x80, v4, vm0, $0xb8;
	[tilespmem:$0x18400] =	vst v63  }
0x5a: {  	s9 =	simm.s32 $0x12400  }
0x5b: {  	[tilespmem:s9], [sflag:$0x2] =	stream.indirect_vreg.gather [hbm4b:s1+s3], $0x80, v3, vm0, $0xb8;
	[tilespmem:$0x18400] =	vst v63  }
0x5c: {  	s10 =	simm.s32 $0x12C00  }
0x5d: {  	[tilespmem:s10], [sflag:$0x2] =	stream.indirect_vreg.gather [hbm4b:s5+s3], $0x80, v3, vm0, $0xb8;
	[tilespmem:$0x18400] =	vst v63  }
0x5e: {  	_ = 	snop  }
0x5f: {  	[tilespmem:s18], [sflag:$0x2] =	stream.indirect_vreg.gather [hbm4b:s6+s3], $0x80, v3, vm0, $0xb8;
	[tilespmem:$0x18400] =	vst v63  }
0x60: {  	_ = 	snop  }
0x61: {  	[tilespmem:s11], [sflag:$0x2] =	stream.indirect_vreg.gather [hbm4b:s8+s3], $0x80, v3, vm0, $0xb8;
	[tilespmem:$0x18400] =	vst v63  }
0x62: {  	v3 =	vld [tilespmem:$0x90];
	_ =	sdelay $0x4  }
0x63: {  	v4 =	vshll.u32 v3, $0x3  }
0x64: {  	v3 =	vand.u32 $0x7, v3;
	v4 =	vand.u32 $0xFFFFFFC0, v4  }
0x65: {  	v3 =	vor.u32 v3, v4  }
0x66: {  	v4 =	vperm.xlane v3, v0;
	_ =	sdelay $0x1  }
0x67: {  	v4 =	vadd.s32 v1, v4;
	_ =	sdelay $0x4  }
0x68: {  	[tilespmem:s7], [sflag:$0x2] =	stream.indirect_vreg.gather [hbm4b:s1+s3], $0x80, v4, vm0, $0xb8;
	[tilespmem:$0x18400] =	vst v63  }
0x69: {  	v3 =	vperm.xlane v3, v2  }
0x6a: {  	[tilespmem:s21], [sflag:$0x2] =	stream.indirect_vreg.gather [hbm4b:s5+s3], $0x80, v4, vm0, $0xb8;
	[tilespmem:$0x18400] =	vst v63  }
0x6b: {  	v3 =	vadd.s32 v1, v3  }
0x6c: {  	[tilespmem:s22], [sflag:$0x2] =	stream.indirect_vreg.gather [hbm4b:s6+s3], $0x80, v4, vm0, $0xb8;
	[tilespmem:$0x18400] =	vst v63  }
0x6d: {  	_ = 	snop  }
0x6e: {  	[tilespmem:s23], [sflag:$0x2] =	stream.indirect_vreg.gather [hbm4b:s8+s3], $0x80, v4, vm0, $0xb8;
	[tilespmem:$0x18400] =	vst v63  }
0x6f: {  	_ = 	snop  }
0x70: {  	[tilespmem:s24], [sflag:$0x2] =	stream.indirect_vreg.gather [hbm4b:s1+s3], $0x80, v3, vm0, $0xb8;
	[tilespmem:$0x18400] =	vst v63  }
0x71: {  	_ = 	snop  }
0x72: {  	[tilespmem:s25], [sflag:$0x2] =	stream.indirect_vreg.gather [hbm4b:s5+s3], $0x80, v3, vm0, $0xb8;
	[tilespmem:$0x18400] =	vst v63  }
0x73: {  	s13 =	sand.u32 $0x6000, s3;
	s14 =	sand.u32 $0x1C00, s3  }
0x74: {  	[tilespmem:s26], [sflag:$0x2] =	stream.indirect_vreg.gather [hbm4b:s6+s3], $0x80, v3, vm0, $0xb8;
	[tilespmem:$0x18400] =	vst v63  }
0x75: {  	s4 =	sor.u32 s14, s13;
	s15 =	sand.u32 $0x380, s3  }
0x76: {  	[tilespmem:s28], [sflag:$0x2] =	stream.indirect_vreg.gather [hbm4b:s8+s3], $0x80, v3, vm0, $0xb8;
	[tilespmem:$0x18400] =	vst v63  }
0x77: {  	s4 =	sor.u32 s15, s4;
	_ =	swait.ge [sflag:s29], $0x8000  }
0x78: {  	s16 =	simm.s32 $0x200;
	s10 =	sand.u32 $0x40, s3;
	[sflag:s29] =	ssyncset.done $0x0  }
0x79: {  	s17 =	simm.s32 $0x40;
	s4 =	sor.u32 s10, s4;
	[sflag:s29] =	ssyncadd.s32 $0xFFFF8000  }
0x7a: {  	s13 =	simm.s32 $0x8;
	s14 =	sand.u32 $0x6000, s17;
	s9 =	sand.u32 $0x1C00, s16;
	v4 =	vld [tilespmem:s4+$0x430]  }
0x7b: {  	s13 =	sand.u32 $0x380, s13;
	s9 =	sor.u32 s9, s14;
	v5 =	vld [tilespmem:s4+$0x400]  }
0x7c: {  	s9 =	sor.u32 s13, s9;
	s10 =	sand.u32 $0x40, s17;
	v6 =	vld [tilespmem:s4+$0x410]  }
0x7d: {  	s9 =	sor.u32 s10, s9;
	v3 =	vld [tilespmem:s4+$0x420]  }
0x7e: {  	v7 =	vld [tilespmem:s9+$0x430]  }
0x7f: {  	[tilespmem:s4+$0x8430] =	vst.add.f32.msk $0xffff, v4  }
0x80: {  	[tilespmem:s4+$0x8400] =	vst.add.f32.msk $0xffff, v5  }
0x81: {  	[tilespmem:s4+$0x8410] =	vst.add.f32.msk $0xffff, v6  }
0x82: {  	v6 =	vld [tilespmem:s9+$0x400]  }
0x83: {  	s15 =	simm.s32 $0x80;
	v5 =	vld [tilespmem:s9+$0x410]  }
0x84: {  	s14 =	simm.s32 $0x400;
	s13 =	simm.s32 $0x10;
	s10 =	simm.s32 $0x4;
	v4 =	vld [tilespmem:s9+$0x420]  }
.LBB2_2:
0x85: {  	s16 =	sand.u32 $0x6000, s15;
	s17 =	sand.u32 $0x1C00, s14;
	s10 =	sadd.s32 $0x4, s10;
	[tilespmem:s4+$0x8420] =	vst.add.f32.msk $0xffff, v3  }
0x86: {  	s4 =	sor.u32 s17, s16;
	s16 =	sand.u32 $0x380, s13;
	p0 =	slt.u32 s10, $0x7FC;
	[tilespmem:s9+$0x8430] =	vst.add.f32.msk $0xffff, v7  }
0x87: {  	s17 =	sand.u32 $0x40, s15;
	s16 =	sor.u32 s16, s4;
	[tilespmem:s9+$0x8400] =	vst.add.f32.msk $0xffff, v6;
	s4 =	smov.u32 s9  }
.Ltmp0:
0x88: {  	s9 =	sor.u32 s17, s16;
	[tilespmem:s4+$0x8410] =	vst.add.f32.msk $0xffff, v5;
	(pc) =	sbr.rel @p0 .LBB2_2-.Ltmp0, $4  }
0x89: {  	v7 =	vld [tilespmem:s9+$0x430];
	v3 =	vmov v4  }
0x8a: {  	v6 =	vld [tilespmem:s9+$0x400]  }
0x8b: {  	v5 =	vld [tilespmem:s9+$0x410]  }
0x8c: {  	s14 =	sadd.s32 $0x200, s14;
	s13 =	sadd.s32 $0x8, s13;
	s15 =	sadd.s32 $0x40, s15;
	v4 =	vld [tilespmem:s9+$0x420]  }
0x8d: {  	[tilespmem:s4+$0x8420] =	vst.add.f32.msk $0xffff, v3  }
0x8e: {  	[tilespmem:s9+$0x8430] =	vst.add.f32.msk $0xffff, v7  }
0x8f: {  	[tilespmem:s9+$0x8400] =	vst.add.f32.msk $0xffff, v6  }
0x90: {  	[tilespmem:s9+$0x8410] =	vst.add.f32.msk $0xffff, v5  }
0x91: {  	[tilespmem:s9+$0x8420] =	vst.add.f32.msk $0xffff, v4  }
0x92: {  	s4 =	simm.s32 $0x0;
	s9 =	rddreg [dreg:$0x6]  }
0x93: {  	[hbm4b:s9+s4] =	stream.linear.scatter [tilespmem:s20], [sflag:$0x3], $0x8000, $0x38;
	[tilespmem:$0x18400] =	vst v63  }
0x94: {  	_ =	swait.ge [sflag:s30], $0x8000  }
0x95: {  	[sflag:s30] =	ssyncset.done $0x0  }
0x96: {  	[sflag:s30] =	ssyncadd.s32 $0xFFFF8000  }
0x97: {  	v3 =	vld [tilespmem:$0x100];
	_ =	sdelay $0x4  }
0x98: {  	v4 =	vshll.u32 v3, $0x3  }
0x99: {  	v3 =	vand.u32 $0x7, v3;
	v4 =	vand.u32 $0xFFFFFFC0, v4  }
0x9a: {  	v3 =	vor.u32 v3, v4  }
0x9b: {  	v4 =	vperm.xlane v3, v0;
	_ =	sdelay $0x1  }
0x9c: {  	v4 =	vadd.s32 v1, v4;
	_ =	sdelay $0x4  }
0x9d: {  	[tilespmem:s20], [sflag:$0x1] =	stream.indirect_vreg.gather [hbm4b:s1+s4], $0x80, v4, vm0, $0xb8;
	[tilespmem:$0x18400] =	vst v63  }
0x9e: {  	s17 =	simm.s32 $0x8C00;
	v3 =	vperm.xlane v3, v2  }
0x9f: {  	[tilespmem:s17], [sflag:$0x1] =	stream.indirect_vreg.gather [hbm4b:s5+s4], $0x80, v4, vm0, $0xb8;
	[tilespmem:$0x18400] =	vst v63  }
0xa0: {  	s10 =	simm.s32 $0x9400;
	v3 =	vadd.s32 v1, v3  }
0xa1: {  	[tilespmem:s10], [sflag:$0x1] =	stream.indirect_vreg.gather [hbm4b:s6+s4], $0x80, v4, vm0, $0xb8;
	[tilespmem:$0x18400] =	vst v63  }
0xa2: {  	s13 =	simm.s32 $0x9C00  }
0xa3: {  	[tilespmem:s13], [sflag:$0x1] =	stream.indirect_vreg.gather [hbm4b:s8+s4], $0x80, v4, vm0, $0xb8;
	[tilespmem:$0x18400] =	vst v63  }
0xa4: {  	s14 =	simm.s32 $0xA400  }
0xa5: {  	[tilespmem:s14], [sflag:$0x1] =	stream.indirect_vreg.gather [hbm4b:s1+s4], $0x80, v3, vm0, $0xb8;
	[tilespmem:$0x18400] =	vst v63  }
0xa6: {  	s15 =	simm.s32 $0xAC00  }
0xa7: {  	[tilespmem:s15], [sflag:$0x1] =	stream.indirect_vreg.gather [hbm4b:s5+s4], $0x80, v3, vm0, $0xb8;
	[tilespmem:$0x18400] =	vst v63  }
0xa8: {  	s16 =	simm.s32 $0xB400  }
0xa9: {  	[tilespmem:s16], [sflag:$0x1] =	stream.indirect_vreg.gather [hbm4b:s6+s4], $0x80, v3, vm0, $0xb8;
	[tilespmem:$0x18400] =	vst v63  }
0xaa: {  	s17 =	simm.s32 $0xBC00  }
0xab: {  	[tilespmem:s17], [sflag:$0x1] =	stream.indirect_vreg.gather [hbm4b:s8+s4], $0x80, v3, vm0, $0xb8;
	[tilespmem:$0x18400] =	vst v63  }
0xac: {  	v3 =	vld [tilespmem:$0x110];
	_ =	sdelay $0x4  }
0xad: {  	v4 =	vshll.u32 v3, $0x3  }
0xae: {  	v3 =	vand.u32 $0x7, v3;
	v4 =	vand.u32 $0xFFFFFFC0, v4  }
0xaf: {  	v3 =	vor.u32 v3, v4  }
0xb0: {  	v4 =	vperm.xlane v3, v0;
	_ =	sdelay $0x1  }
0xb1: {  	v4 =	vadd.s32 v1, v4;
	_ =	sdelay $0x3  }
0xb2: {  	s10 =	simm.s32 $0xC400  }
0xb3: {  	[tilespmem:s10], [sflag:$0x1] =	stream.indirect_vreg.gather [hbm4b:s1+s4], $0x80, v4, vm0, $0xb8;
	[tilespmem:$0x18400] =	vst v63  }
0xb4: {  	s13 =	simm.s32 $0xCC00;
	v3 =	vperm.xlane v3, v2  }
0xb5: {  	[tilespmem:s13], [sflag:$0x1] =	stream.indirect_vreg.gather [hbm4b:s5+s4], $0x80, v4, vm0, $0xb8;
	[tilespmem:$0x18400] =	vst v63  }
0xb6: {  	s14 =	simm.s32 $0xD400;
	v3 =	vadd.s32 v1, v3  }
0xb7: {  	[tilespmem:s14], [sflag:$0x1] =	stream.indirect_vreg.gather [hbm4b:s6+s4], $0x80, v4, vm0, $0xb8;
	[tilespmem:$0x18400] =	vst v63  }
0xb8: {  	s15 =	simm.s32 $0xDC00  }
0xb9: {  	[tilespmem:s15], [sflag:$0x1] =	stream.indirect_vreg.gather [hbm4b:s8+s4], $0x80, v4, vm0, $0xb8;
	[tilespmem:$0x18400] =	vst v63  }
0xba: {  	s16 =	simm.s32 $0xE400  }
0xbb: {  	[tilespmem:s16], [sflag:$0x1] =	stream.indirect_vreg.gather [hbm4b:s1+s4], $0x80, v3, vm0, $0xb8;
	[tilespmem:$0x18400] =	vst v63  }
0xbc: {  	s17 =	simm.s32 $0xEC00  }
0xbd: {  	[tilespmem:s17], [sflag:$0x1] =	stream.indirect_vreg.gather [hbm4b:s5+s4], $0x80, v3, vm0, $0xb8;
	[tilespmem:$0x18400] =	vst v63  }
0xbe: {  	s10 =	simm.s32 $0xF400;
	s13 =	simm.s32 $0xFC00  }
0xbf: {  	[tilespmem:s10], [sflag:$0x1] =	stream.indirect_vreg.gather [hbm4b:s6+s4], $0x80, v3, vm0, $0xb8;
	[tilespmem:$0x18400] =	vst v63  }
0xc0: {  	s14 =	sand.u32 $0x6000, s4;
	s15 =	sand.u32 $0x380, s4;
	s10 =	sand.u32 $0x1C00, s4  }
0xc1: {  	[tilespmem:s13], [sflag:$0x1] =	stream.indirect_vreg.gather [hbm4b:s8+s4], $0x80, v3, vm0, $0xb8;
	[tilespmem:$0x18400] =	vst v63  }
0xc2: {  	s16 =	simm.s32 $0x200;
	s9 =	sor.u32 s10, s14;
	_ =	swait.ge [sflag:s31], $0x8000  }
0xc3: {  	s4 =	sand.u32 $0x40, s4;
	s9 =	sor.u32 s15, s9;
	[sflag:s31] =	ssyncset.done $0x0  }
0xc4: {  	s17 =	simm.s32 $0x40;
	s4 =	sor.u32 s4, s9;
	[sflag:s31] =	ssyncadd.s32 $0xFFFF8000  }
0xc5: {  	s14 =	sand.u32 $0x6000, s17;
	s13 =	simm.s32 $0x8;
	s9 =	sand.u32 $0x1C00, s16;
	v4 =	vld [tilespmem:s4+$0x430]  }
0xc6: {  	s13 =	sand.u32 $0x380, s13;
	s9 =	sor.u32 s9, s14;
	v5 =	vld [tilespmem:s4+$0x400]  }
0xc7: {  	s10 =	sand.u32 $0x40, s17;
	s9 =	sor.u32 s13, s9;
	v6 =	vld [tilespmem:s4+$0x410]  }
0xc8: {  	v3 =	vld [tilespmem:s4+$0x420];
	s9 =	sor.u32 s10, s9  }
0xc9: {  	v7 =	vld [tilespmem:s9+$0x430]  }
0xca: {  	[tilespmem:s4+$0x10430] =	vst.add.f32.msk $0xffff, v4  }
0xcb: {  	[tilespmem:s4+$0x10400] =	vst.add.f32.msk $0xffff, v5  }
0xcc: {  	[tilespmem:s4+$0x10410] =	vst.add.f32.msk $0xffff, v6  }
0xcd: {  	v6 =	vld [tilespmem:s9+$0x400]  }
0xce: {  	s15 =	simm.s32 $0x80;
	v5 =	vld [tilespmem:s9+$0x410]  }
0xcf: {  	s14 =	simm.s32 $0x400;
	s13 =	simm.s32 $0x10;
	s10 =	simm.s32 $0x4;
	v4 =	vld [tilespmem:s9+$0x420]  }
.LBB2_4:
0xd0: {  	s16 =	sand.u32 $0x6000, s15;
	s17 =	sand.u32 $0x1C00, s14;
	s10 =	sadd.s32 $0x4, s10;
	[tilespmem:s4+$0x10420] =	vst.add.f32.msk $0xffff, v3  }
0xd1: {  	s4 =	sor.u32 s17, s16;
	s16 =	sand.u32 $0x380, s13;
	p0 =	slt.u32 s10, $0x7FC;
	[tilespmem:s9+$0x10430] =	vst.add.f32.msk $0xffff, v7  }
0xd2: {  	s17 =	sand.u32 $0x40, s15;
	s16 =	sor.u32 s16, s4;
	[tilespmem:s9+$0x10400] =	vst.add.f32.msk $0xffff, v6;
	s4 =	smov.u32 s9  }
.Ltmp1:
0xd3: {  	s9 =	sor.u32 s17, s16;
	[tilespmem:s4+$0x10410] =	vst.add.f32.msk $0xffff, v5;
	(pc) =	sbr.rel @p0 .LBB2_4-.Ltmp1, $4  }
0xd4: {  	v7 =	vld [tilespmem:s9+$0x430];
	v3 =	vmov v4  }
0xd5: {  	v6 =	vld [tilespmem:s9+$0x400]  }
0xd6: {  	v5 =	vld [tilespmem:s9+$0x410]  }
0xd7: {  	s14 =	sadd.s32 $0x200, s14;
	s13 =	sadd.s32 $0x8, s13;
	s15 =	sadd.s32 $0x40, s15;
	v4 =	vld [tilespmem:s9+$0x420]  }
0xd8: {  	[tilespmem:s4+$0x10420] =	vst.add.f32.msk $0xffff, v3  }
0xd9: {  	[tilespmem:s9+$0x10430] =	vst.add.f32.msk $0xffff, v7  }
0xda: {  	[tilespmem:s9+$0x10400] =	vst.add.f32.msk $0xffff, v6  }
0xdb: {  	[tilespmem:s9+$0x10410] =	vst.add.f32.msk $0xffff, v5  }
0xdc: {  	[tilespmem:s9+$0x10420] =	vst.add.f32.msk $0xffff, v4  }
0xdd: {  	s4 =	simm.s32 $0x0;
	s9 =	rddreg [dreg:$0x8]  }
0xde: {  	[hbm4b:s9+s4] =	stream.linear.scatter [tilespmem:s12], [sflag:$0x4], $0x8000, $0x38;
	[tilespmem:$0x18400] =	vst v63  }
0xdf: {  	_ =	swait.ge [sflag:s2], $0x8000  }
0xe0: {  	[sflag:s2] =	ssyncset.done $0x0  }
0xe1: {  	[sflag:s2] =	ssyncadd.s32 $0xFFFF8000  }
0xe2: {  	v3 =	vld [tilespmem:$0x180];
	_ =	sdelay $0x4  }
0xe3: {  	v4 =	vshll.u32 v3, $0x3  }
0xe4: {  	v3 =	vand.u32 $0x7, v3;
	v4 =	vand.u32 $0xFFFFFFC0, v4  }
0xe5: {  	v3 =	vor.u32 v3, v4  }
0xe6: {  	v4 =	vperm.xlane v3, v0;
	_ =	sdelay $0x1  }
0xe7: {  	v4 =	vadd.s32 v1, v4;
	_ =	sdelay $0x4  }
0xe8: {  	[tilespmem:s12], [sflag:$0x2] =	stream.indirect_vreg.gather [hbm4b:s1+s4], $0x80, v4, vm0, $0xb8;
	[tilespmem:$0x18400] =	vst v63  }
0xe9: {  	s15 =	simm.s32 $0x10C00;
	v3 =	vperm.xlane v3, v2  }
0xea: {  	[tilespmem:s15], [sflag:$0x2] =	stream.indirect_vreg.gather [hbm4b:s5+s4], $0x80, v4, vm0, $0xb8;
	[tilespmem:$0x18400] =	vst v63  }
0xeb: {  	s16 =	simm.s32 $0x11400;
	v3 =	vadd.s32 v1, v3  }
0xec: {  	[tilespmem:s16], [sflag:$0x2] =	stream.indirect_vreg.gather [hbm4b:s6+s4], $0x80, v4, vm0, $0xb8;
	[tilespmem:$0x18400] =	vst v63  }
0xed: {  	s17 =	simm.s32 $0x11C00  }
0xee: {  	[tilespmem:s17], [sflag:$0x2] =	stream.indirect_vreg.gather [hbm4b:s8+s4], $0x80, v4, vm0, $0xb8;
	[tilespmem:$0x18400] =	vst v63  }
0xef: {  	s10 =	simm.s32 $0x12400  }
0xf0: {  	[tilespmem:s10], [sflag:$0x2] =	stream.indirect_vreg.gather [hbm4b:s1+s4], $0x80, v3, vm0, $0xb8;
	[tilespmem:$0x18400] =	vst v63  }
0xf1: {  	s13 =	simm.s32 $0x12C00  }
0xf2: {  	[tilespmem:s13], [sflag:$0x2] =	stream.indirect_vreg.gather [hbm4b:s5+s4], $0x80, v3, vm0, $0xb8;
	[tilespmem:$0x18400] =	vst v63  }
0xf3: {  	_ = 	snop  }
0xf4: {  	[tilespmem:s18], [sflag:$0x2] =	stream.indirect_vreg.gather [hbm4b:s6+s4], $0x80, v3, vm0, $0xb8;
	[tilespmem:$0x18400] =	vst v63  }
0xf5: {  	_ = 	snop  }
0xf6: {  	[tilespmem:s11], [sflag:$0x2] =	stream.indirect_vreg.gather [hbm4b:s8+s4], $0x80, v3, vm0, $0xb8;
	[tilespmem:$0x18400] =	vst v63  }
0xf7: {  	v3 =	vld [tilespmem:$0x190];
	_ =	sdelay $0x4  }
0xf8: {  	v4 =	vshll.u32 v3, $0x3  }
0xf9: {  	v3 =	vand.u32 $0x7, v3;
	v4 =	vand.u32 $0xFFFFFFC0, v4  }
0xfa: {  	v3 =	vor.u32 v3, v4  }
0xfb: {  	v4 =	vperm.xlane v3, v0;
	_ =	sdelay $0x1  }
0xfc: {  	v4 =	vadd.s32 v1, v4;
	_ =	sdelay $0x4  }
0xfd: {  	[tilespmem:s7], [sflag:$0x2] =	stream.indirect_vreg.gather [hbm4b:s1+s4], $0x80, v4, vm0, $0xb8;
	[tilespmem:$0x18400] =	vst v63  }
0xfe: {  	v3 =	vperm.xlane v3, v2  }
0xff: {  	[tilespmem:s21], [sflag:$0x2] =	stream.indirect_vreg.gather [hbm4b:s5+s4], $0x80, v4, vm0, $0xb8;
	[tilespmem:$0x18400] =	vst v63  }
0x100: {  	v3 =	vadd.s32 v1, v3  }
0x101: {  	[tilespmem:s22], [sflag:$0x2] =	stream.indirect_vreg.gather [hbm4b:s6+s4], $0x80, v4, vm0, $0xb8;
	[tilespmem:$0x18400] =	vst v63  }
0x102: {  	_ = 	snop  }
0x103: {  	[tilespmem:s23], [sflag:$0x2] =	stream.indirect_vreg.gather [hbm4b:s8+s4], $0x80, v4, vm0, $0xb8;
	[tilespmem:$0x18400] =	vst v63  }
0x104: {  	_ = 	snop  }
0x105: {  	[tilespmem:s24], [sflag:$0x2] =	stream.indirect_vreg.gather [hbm4b:s1+s4], $0x80, v3, vm0, $0xb8;
	[tilespmem:$0x18400] =	vst v63  }
0x106: {  	_ = 	snop  }
0x107: {  	[tilespmem:s25], [sflag:$0x2] =	stream.indirect_vreg.gather [hbm4b:s5+s4], $0x80, v3, vm0, $0xb8;
	[tilespmem:$0x18400] =	vst v63  }
0x108: {  	_ = 	snop  }
0x109: {  	[tilespmem:s26], [sflag:$0x2] =	stream.indirect_vreg.gather [hbm4b:s6+s4], $0x80, v3, vm0, $0xb8;
	[tilespmem:$0x18400] =	vst v63  }
0x10a: {  	s14 =	sand.u32 $0x6000, s4;
	s15 =	sand.u32 $0x380, s4;
	s10 =	sand.u32 $0x1C00, s4  }
0x10b: {  	[tilespmem:s28], [sflag:$0x2] =	stream.indirect_vreg.gather [hbm4b:s8+s4], $0x80, v3, vm0, $0xb8;
	[tilespmem:$0x18400] =	vst v63  }
0x10c: {  	s16 =	simm.s32 $0x200;
	s9 =	sor.u32 s10, s14;
	_ =	swait.ge [sflag:s29], $0x8000  }
0x10d: {  	s9 =	sor.u32 s15, s9;
	s4 =	sand.u32 $0x40, s4;
	[sflag:s29] =	ssyncset.done $0x0  }
0x10e: {  	s17 =	simm.s32 $0x40;
	s4 =	sor.u32 s4, s9;
	[sflag:s29] =	ssyncadd.s32 $0xFFFF8000  }
0x10f: {  	s14 =	sand.u32 $0x6000, s17;
	s13 =	simm.s32 $0x8;
	s9 =	sand.u32 $0x1C00, s16;
	v4 =	vld [tilespmem:s4+$0x430]  }
0x110: {  	s13 =	sand.u32 $0x380, s13;
	s9 =	sor.u32 s9, s14;
	v5 =	vld [tilespmem:s4+$0x400]  }
0x111: {  	s10 =	sand.u32 $0x40, s17;
	s9 =	sor.u32 s13, s9;
	v6 =	vld [tilespmem:s4+$0x410]  }
0x112: {  	v3 =	vld [tilespmem:s4+$0x420];
	s9 =	sor.u32 s10, s9  }
0x113: {  	v7 =	vld [tilespmem:s9+$0x430]  }
0x114: {  	[tilespmem:s4+$0x8430] =	vst.add.f32.msk $0xffff, v4  }
0x115: {  	[tilespmem:s4+$0x8400] =	vst.add.f32.msk $0xffff, v5  }
0x116: {  	[tilespmem:s4+$0x8410] =	vst.add.f32.msk $0xffff, v6  }
0x117: {  	v6 =	vld [tilespmem:s9+$0x400]  }
0x118: {  	s15 =	simm.s32 $0x80;
	v5 =	vld [tilespmem:s9+$0x410]  }
0x119: {  	s14 =	simm.s32 $0x400;
	s13 =	simm.s32 $0x10;
	s10 =	simm.s32 $0x4;
	v4 =	vld [tilespmem:s9+$0x420]  }
.LBB2_6:
0x11a: {  	s16 =	sand.u32 $0x6000, s15;
	s17 =	sand.u32 $0x1C00, s14;
	s10 =	sadd.s32 $0x4, s10;
	[tilespmem:s4+$0x8420] =	vst.add.f32.msk $0xffff, v3  }
0x11b: {  	s4 =	sor.u32 s17, s16;
	s16 =	sand.u32 $0x380, s13;
	p0 =	slt.u32 s10, $0x7FC;
	[tilespmem:s9+$0x8430] =	vst.add.f32.msk $0xffff, v7  }
0x11c: {  	s17 =	sand.u32 $0x40, s15;
	s16 =	sor.u32 s16, s4;
	[tilespmem:s9+$0x8400] =	vst.add.f32.msk $0xffff, v6;
	s4 =	smov.u32 s9  }
.Ltmp2:
0x11d: {  	s9 =	sor.u32 s17, s16;
	[tilespmem:s4+$0x8410] =	vst.add.f32.msk $0xffff, v5;
	(pc) =	sbr.rel @p0 .LBB2_6-.Ltmp2, $4  }
0x11e: {  	v7 =	vld [tilespmem:s9+$0x430];
	v3 =	vmov v4  }
0x11f: {  	v6 =	vld [tilespmem:s9+$0x400]  }
0x120: {  	v5 =	vld [tilespmem:s9+$0x410]  }
0x121: {  	s14 =	sadd.s32 $0x200, s14;
	s13 =	sadd.s32 $0x8, s13;
	s15 =	sadd.s32 $0x40, s15;
	v4 =	vld [tilespmem:s9+$0x420]  }
0x122: {  	[tilespmem:s4+$0x8420] =	vst.add.f32.msk $0xffff, v3  }
0x123: {  	[tilespmem:s9+$0x8430] =	vst.add.f32.msk $0xffff, v7  }
0x124: {  	[tilespmem:s9+$0x8400] =	vst.add.f32.msk $0xffff, v6  }
0x125: {  	[tilespmem:s9+$0x8410] =	vst.add.f32.msk $0xffff, v5  }
0x126: {  	[tilespmem:s9+$0x8420] =	vst.add.f32.msk $0xffff, v4  }
0x127: {  	s4 =	simm.s32 $0x0;
	s9 =	rddreg [dreg:$0x9]  }
0x128: {  	[hbm4b:s9+s4] =	stream.linear.scatter [tilespmem:s20], [sflag:$0x3], $0x8000, $0x38;
	[tilespmem:$0x18400] =	vst v63  }
0x129: {  	_ =	swait.ge [sflag:s30], $0x8000  }
0x12a: {  	[sflag:s30] =	ssyncset.done $0x0  }
0x12b: {  	[sflag:s30] =	ssyncadd.s32 $0xFFFF8000  }
0x12c: {  	v3 =	vld [tilespmem:$0x200];
	_ =	sdelay $0x4  }
0x12d: {  	v4 =	vshll.u32 v3, $0x3  }
0x12e: {  	v3 =	vand.u32 $0x7, v3;
	v4 =	vand.u32 $0xFFFFFFC0, v4  }
0x12f: {  	v3 =	vor.u32 v3, v4  }
0x130: {  	v4 =	vperm.xlane v3, v0;
	_ =	sdelay $0x1  }
0x131: {  	v4 =	vadd.s32 v1, v4;
	_ =	sdelay $0x4  }
0x132: {  	[tilespmem:s20], [sflag:$0x1] =	stream.indirect_vreg.gather [hbm4b:s1+s4], $0x80, v4, vm0, $0xb8;
	[tilespmem:$0x18400] =	vst v63  }
0x133: {  	s17 =	simm.s32 $0x8C00;
	v3 =	vperm.xlane v3, v2  }
0x134: {  	[tilespmem:s17], [sflag:$0x1] =	stream.indirect_vreg.gather [hbm4b:s5+s4], $0x80, v4, vm0, $0xb8;
	[tilespmem:$0x18400] =	vst v63  }
0x135: {  	s10 =	simm.s32 $0x9400;
	v3 =	vadd.s32 v1, v3  }
0x136: {  	[tilespmem:s10], [sflag:$0x1] =	stream.indirect_vreg.gather [hbm4b:s6+s4], $0x80, v4, vm0, $0xb8;
	[tilespmem:$0x18400] =	vst v63  }
0x137: {  	s13 =	simm.s32 $0x9C00  }
0x138: {  	[tilespmem:s13], [sflag:$0x1] =	stream.indirect_vreg.gather [hbm4b:s8+s4], $0x80, v4, vm0, $0xb8;
	[tilespmem:$0x18400] =	vst v63  }
0x139: {  	s14 =	simm.s32 $0xA400  }
0x13a: {  	[tilespmem:s14], [sflag:$0x1] =	stream.indirect_vreg.gather [hbm4b:s1+s4], $0x80, v3, vm0, $0xb8;
	[tilespmem:$0x18400] =	vst v63  }
0x13b: {  	s15 =	simm.s32 $0xAC00  }
0x13c: {  	[tilespmem:s15], [sflag:$0x1] =	stream.indirect_vreg.gather [hbm4b:s5+s4], $0x80, v3, vm0, $0xb8;
	[tilespmem:$0x18400] =	vst v63  }
0x13d: {  	s16 =	simm.s32 $0xB400  }
0x13e: {  	[tilespmem:s16], [sflag:$0x1] =	stream.indirect_vreg.gather [hbm4b:s6+s4], $0x80, v3, vm0, $0xb8;
	[tilespmem:$0x18400] =	vst v63  }
0x13f: {  	s17 =	simm.s32 $0xBC00  }
0x140: {  	[tilespmem:s17], [sflag:$0x1] =	stream.indirect_vreg.gather [hbm4b:s8+s4], $0x80, v3, vm0, $0xb8;
	[tilespmem:$0x18400] =	vst v63  }
0x141: {  	v3 =	vld [tilespmem:$0x210];
	_ =	sdelay $0x4  }
0x142: {  	v4 =	vshll.u32 v3, $0x3  }
0x143: {  	v3 =	vand.u32 $0x7, v3;
	v4 =	vand.u32 $0xFFFFFFC0, v4  }
0x144: {  	v3 =	vor.u32 v3, v4  }
0x145: {  	v4 =	vperm.xlane v3, v0;
	_ =	sdelay $0x1  }
0x146: {  	v4 =	vadd.s32 v1, v4;
	_ =	sdelay $0x3  }
0x147: {  	s10 =	simm.s32 $0xC400  }
0x148: {  	[tilespmem:s10], [sflag:$0x1] =	stream.indirect_vreg.gather [hbm4b:s1+s4], $0x80, v4, vm0, $0xb8;
	[tilespmem:$0x18400] =	vst v63  }
0x149: {  	s13 =	simm.s32 $0xCC00;
	v3 =	vperm.xlane v3, v2  }
0x14a: {  	[tilespmem:s13], [sflag:$0x1] =	stream.indirect_vreg.gather [hbm4b:s5+s4], $0x80, v4, vm0, $0xb8;
	[tilespmem:$0x18400] =	vst v63  }
0x14b: {  	s14 =	simm.s32 $0xD400;
	v3 =	vadd.s32 v1, v3  }
0x14c: {  	[tilespmem:s14], [sflag:$0x1] =	stream.indirect_vreg.gather [hbm4b:s6+s4], $0x80, v4, vm0, $0xb8;
	[tilespmem:$0x18400] =	vst v63  }
0x14d: {  	s15 =	simm.s32 $0xDC00  }
0x14e: {  	[tilespmem:s15], [sflag:$0x1] =	stream.indirect_vreg.gather [hbm4b:s8+s4], $0x80, v4, vm0, $0xb8;
	[tilespmem:$0x18400] =	vst v63  }
0x14f: {  	s16 =	simm.s32 $0xE400  }
0x150: {  	[tilespmem:s16], [sflag:$0x1] =	stream.indirect_vreg.gather [hbm4b:s1+s4], $0x80, v3, vm0, $0xb8;
	[tilespmem:$0x18400] =	vst v63  }
0x151: {  	s17 =	simm.s32 $0xEC00  }
0x152: {  	[tilespmem:s17], [sflag:$0x1] =	stream.indirect_vreg.gather [hbm4b:s5+s4], $0x80, v3, vm0, $0xb8;
	[tilespmem:$0x18400] =	vst v63  }
0x153: {  	s10 =	simm.s32 $0xF400;
	s13 =	simm.s32 $0xFC00  }
0x154: {  	[tilespmem:s10], [sflag:$0x1] =	stream.indirect_vreg.gather [hbm4b:s6+s4], $0x80, v3, vm0, $0xb8;
	[tilespmem:$0x18400] =	vst v63  }
0x155: {  	s14 =	sand.u32 $0x6000, s4;
	s15 =	sand.u32 $0x380, s4;
	s10 =	sand.u32 $0x1C00, s4  }
0x156: {  	[tilespmem:s13], [sflag:$0x1] =	stream.indirect_vreg.gather [hbm4b:s8+s4], $0x80, v3, vm0, $0xb8;
	[tilespmem:$0x18400] =	vst v63  }
0x157: {  	s16 =	simm.s32 $0x200;
	s9 =	sor.u32 s10, s14;
	_ =	swait.ge [sflag:s31], $0x8000  }
0x158: {  	s4 =	sand.u32 $0x40, s4;
	s9 =	sor.u32 s15, s9;
	[sflag:s31] =	ssyncset.done $0x0  }
0x159: {  	s17 =	simm.s32 $0x40;
	s4 =	sor.u32 s4, s9;
	[sflag:s31] =	ssyncadd.s32 $0xFFFF8000  }
0x15a: {  	s14 =	sand.u32 $0x6000, s17;
	s13 =	simm.s32 $0x8;
	s9 =	sand.u32 $0x1C00, s16;
	v4 =	vld [tilespmem:s4+$0x430]  }
0x15b: {  	s13 =	sand.u32 $0x380, s13;
	s9 =	sor.u32 s9, s14;
	v5 =	vld [tilespmem:s4+$0x400]  }
0x15c: {  	s10 =	sand.u32 $0x40, s17;
	s9 =	sor.u32 s13, s9;
	v6 =	vld [tilespmem:s4+$0x410]  }
0x15d: {  	v3 =	vld [tilespmem:s4+$0x420];
	s9 =	sor.u32 s10, s9  }
0x15e: {  	v7 =	vld [tilespmem:s9+$0x430]  }
0x15f: {  	[tilespmem:s4+$0x10430] =	vst.add.f32.msk $0xffff, v4  }
0x160: {  	[tilespmem:s4+$0x10400] =	vst.add.f32.msk $0xffff, v5  }
0x161: {  	[tilespmem:s4+$0x10410] =	vst.add.f32.msk $0xffff, v6  }
0x162: {  	v6 =	vld [tilespmem:s9+$0x400]  }
0x163: {  	s15 =	simm.s32 $0x80;
	v5 =	vld [tilespmem:s9+$0x410]  }
0x164: {  	s14 =	simm.s32 $0x400;
	s13 =	simm.s32 $0x10;
	s10 =	simm.s32 $0x4;
	v4 =	vld [tilespmem:s9+$0x420]  }
.LBB2_8:
0x165: {  	s16 =	sand.u32 $0x6000, s15;
	s17 =	sand.u32 $0x1C00, s14;
	s10 =	sadd.s32 $0x4, s10;
	[tilespmem:s4+$0x10420] =	vst.add.f32.msk $0xffff, v3  }
0x166: {  	s4 =	sor.u32 s17, s16;
	s16 =	sand.u32 $0x380, s13;
	p0 =	slt.u32 s10, $0x7FC;
	[tilespmem:s9+$0x10430] =	vst.add.f32.msk $0xffff, v7  }
0x167: {  	s17 =	sand.u32 $0x40, s15;
	s16 =	sor.u32 s16, s4;
	[tilespmem:s9+$0x10400] =	vst.add.f32.msk $0xffff, v6;
	s4 =	smov.u32 s9  }
.Ltmp3:
0x168: {  	s9 =	sor.u32 s17, s16;
	[tilespmem:s4+$0x10410] =	vst.add.f32.msk $0xffff, v5;
	(pc) =	sbr.rel @p0 .LBB2_8-.Ltmp3, $4  }
0x169: {  	v7 =	vld [tilespmem:s9+$0x430];
	v3 =	vmov v4  }
0x16a: {  	v6 =	vld [tilespmem:s9+$0x400]  }
0x16b: {  	v5 =	vld [tilespmem:s9+$0x410]  }
0x16c: {  	s14 =	sadd.s32 $0x200, s14;
	s13 =	sadd.s32 $0x8, s13;
	s15 =	sadd.s32 $0x40, s15;
	v4 =	vld [tilespmem:s9+$0x420]  }
0x16d: {  	[tilespmem:s4+$0x10420] =	vst.add.f32.msk $0xffff, v3  }
0x16e: {  	[tilespmem:s9+$0x10430] =	vst.add.f32.msk $0xffff, v7  }
0x16f: {  	[tilespmem:s9+$0x10400] =	vst.add.f32.msk $0xffff, v6  }
0x170: {  	[tilespmem:s9+$0x10410] =	vst.add.f32.msk $0xffff, v5  }
0x171: {  	[tilespmem:s9+$0x10420] =	vst.add.f32.msk $0xffff, v4  }
0x172: {  	s4 =	simm.s32 $0x0;
	s9 =	rddreg [dreg:$0xa]  }
0x173: {  	[hbm4b:s9+s4] =	stream.linear.scatter [tilespmem:s12], [sflag:$0x4], $0x8000, $0x38;
	[tilespmem:$0x18400] =	vst v63  }
0x174: {  	s10 =	simm.s32 $0x400;
	s13 =	rddreg [dreg:$0xb]  }
0x175: {  	[tilespmem:s10], [sflag:$0x5] =	stream.linear.gather [hbm4b:s13+s4], $0x8000, $0x38;
	[tilespmem:$0x18400] =	vst v63  }
0x176: {  	_ =	swait.ge [sflag:s19], $0x8000  }
0x177: {  	[sflag:s19] =	ssyncset.done $0x0  }
0x178: {  	[sflag:s19] =	ssyncadd.s32 $0xFFFF8000  }
0x179: {  	_ =	swait.ge [sflag:s2], $0x8000  }
0x17a: {  	[sflag:s2] =	ssyncset.done $0x0  }
0x17b: {  	[sflag:s2] =	ssyncadd.s32 $0xFFFF8000  }
0x17c: {  	v3 =	vld [tilespmem:$0x280];
	_ =	sdelay $0x4  }
0x17d: {  	v4 =	vshll.u32 v3, $0x3  }
0x17e: {  	v3 =	vand.u32 $0x7, v3;
	v4 =	vand.u32 $0xFFFFFFC0, v4  }
0x17f: {  	v3 =	vor.u32 v3, v4  }
0x180: {  	v4 =	vperm.xlane v3, v0;
	_ =	sdelay $0x1  }
0x181: {  	v4 =	vadd.s32 v1, v4;
	_ =	sdelay $0x4  }
0x182: {  	[tilespmem:s12], [sflag:$0x2] =	stream.indirect_vreg.gather [hbm4b:s1+s4], $0x80, v4, vm0, $0xb8;
	[tilespmem:$0x18400] =	vst v63  }
0x183: {  	s14 =	simm.s32 $0x10C00;
	v3 =	vperm.xlane v3, v2  }
0x184: {  	[tilespmem:s14], [sflag:$0x2] =	stream.indirect_vreg.gather [hbm4b:s5+s4], $0x80, v4, vm0, $0xb8;
	[tilespmem:$0x18400] =	vst v63  }
0x185: {  	s15 =	simm.s32 $0x11400;
	v3 =	vadd.s32 v1, v3  }
0x186: {  	[tilespmem:s15], [sflag:$0x2] =	stream.indirect_vreg.gather [hbm4b:s6+s4], $0x80, v4, vm0, $0xb8;
	[tilespmem:$0x18400] =	vst v63  }
0x187: {  	s16 =	simm.s32 $0x11C00  }
0x188: {  	[tilespmem:s16], [sflag:$0x2] =	stream.indirect_vreg.gather [hbm4b:s8+s4], $0x80, v4, vm0, $0xb8;
	[tilespmem:$0x18400] =	vst v63  }
0x189: {  	s17 =	simm.s32 $0x12400  }
0x18a: {  	[tilespmem:s17], [sflag:$0x2] =	stream.indirect_vreg.gather [hbm4b:s1+s4], $0x80, v3, vm0, $0xb8;
	[tilespmem:$0x18400] =	vst v63  }
0x18b: {  	s10 =	simm.s32 $0x12C00  }
0x18c: {  	[tilespmem:s10], [sflag:$0x2] =	stream.indirect_vreg.gather [hbm4b:s5+s4], $0x80, v3, vm0, $0xb8;
	[tilespmem:$0x18400] =	vst v63  }
0x18d: {  	_ = 	snop  }
0x18e: {  	[tilespmem:s18], [sflag:$0x2] =	stream.indirect_vreg.gather [hbm4b:s6+s4], $0x80, v3, vm0, $0xb8;
	[tilespmem:$0x18400] =	vst v63  }
0x18f: {  	_ = 	snop  }
0x190: {  	[tilespmem:s11], [sflag:$0x2] =	stream.indirect_vreg.gather [hbm4b:s8+s4], $0x80, v3, vm0, $0xb8;
	[tilespmem:$0x18400] =	vst v63  }
0x191: {  	v3 =	vld [tilespmem:$0x290];
	_ =	sdelay $0x4  }
0x192: {  	v4 =	vshll.u32 v3, $0x3  }
0x193: {  	v3 =	vand.u32 $0x7, v3;
	v4 =	vand.u32 $0xFFFFFFC0, v4  }
0x194: {  	v3 =	vor.u32 v3, v4  }
0x195: {  	v4 =	vperm.xlane v3, v0;
	_ =	sdelay $0x1  }
0x196: {  	v4 =	vadd.s32 v1, v4;
	_ =	sdelay $0x4  }
0x197: {  	[tilespmem:s7], [sflag:$0x2] =	stream.indirect_vreg.gather [hbm4b:s1+s4], $0x80, v4, vm0, $0xb8;
	[tilespmem:$0x18400] =	vst v63  }
0x198: {  	v3 =	vperm.xlane v3, v2  }
0x199: {  	[tilespmem:s21], [sflag:$0x2] =	stream.indirect_vreg.gather [hbm4b:s5+s4], $0x80, v4, vm0, $0xb8;
	[tilespmem:$0x18400] =	vst v63  }
0x19a: {  	v3 =	vadd.s32 v1, v3  }
0x19b: {  	[tilespmem:s22], [sflag:$0x2] =	stream.indirect_vreg.gather [hbm4b:s6+s4], $0x80, v4, vm0, $0xb8;
	[tilespmem:$0x18400] =	vst v63  }
0x19c: {  	_ = 	snop  }
0x19d: {  	[tilespmem:s23], [sflag:$0x2] =	stream.indirect_vreg.gather [hbm4b:s8+s4], $0x80, v4, vm0, $0xb8;
	[tilespmem:$0x18400] =	vst v63  }
0x19e: {  	_ = 	snop  }
0x19f: {  	[tilespmem:s24], [sflag:$0x2] =	stream.indirect_vreg.gather [hbm4b:s1+s4], $0x80, v3, vm0, $0xb8;
	[tilespmem:$0x18400] =	vst v63  }
0x1a0: {  	_ = 	snop  }
0x1a1: {  	[tilespmem:s25], [sflag:$0x2] =	stream.indirect_vreg.gather [hbm4b:s5+s4], $0x80, v3, vm0, $0xb8;
	[tilespmem:$0x18400] =	vst v63  }
0x1a2: {  	s13 =	sand.u32 $0x6000, s4;
	s14 =	sand.u32 $0x1C00, s4  }
0x1a3: {  	[tilespmem:s26], [sflag:$0x2] =	stream.indirect_vreg.gather [hbm4b:s6+s4], $0x80, v3, vm0, $0xb8;
	[tilespmem:$0x18400] =	vst v63  }
0x1a4: {  	s9 =	sor.u32 s14, s13;
	s15 =	sand.u32 $0x380, s4  }
0x1a5: {  	[tilespmem:s28], [sflag:$0x2] =	stream.indirect_vreg.gather [hbm4b:s8+s4], $0x80, v3, vm0, $0xb8;
	[tilespmem:$0x18400] =	vst v63  }
0x1a6: {  	s9 =	sor.u32 s15, s9;
	_ =	swait.ge [sflag:s29], $0x8000  }
0x1a7: {  	s16 =	simm.s32 $0x200;
	s4 =	sand.u32 $0x40, s4;
	[sflag:s29] =	ssyncset.done $0x0  }
0x1a8: {  	s17 =	simm.s32 $0x40;
	s4 =	sor.u32 s4, s9;
	[sflag:s29] =	ssyncadd.s32 $0xFFFF8000  }
0x1a9: {  	s13 =	simm.s32 $0x8;
	s14 =	sand.u32 $0x6000, s17;
	s9 =	sand.u32 $0x1C00, s16;
	v4 =	vld [tilespmem:s4+$0x430]  }
0x1aa: {  	s13 =	sand.u32 $0x380, s13;
	s9 =	sor.u32 s9, s14;
	v5 =	vld [tilespmem:s4+$0x400]  }
0x1ab: {  	s10 =	sand.u32 $0x40, s17;
	s9 =	sor.u32 s13, s9;
	v6 =	vld [tilespmem:s4+$0x410]  }
0x1ac: {  	v3 =	vld [tilespmem:s4+$0x420];
	s9 =	sor.u32 s10, s9  }
0x1ad: {  	v7 =	vld [tilespmem:s9+$0x430]  }
0x1ae: {  	[tilespmem:s4+$0x8430] =	vst.add.f32.msk $0xffff, v4  }
0x1af: {  	[tilespmem:s4+$0x8400] =	vst.add.f32.msk $0xffff, v5  }
0x1b0: {  	[tilespmem:s4+$0x8410] =	vst.add.f32.msk $0xffff, v6  }
0x1b1: {  	v6 =	vld [tilespmem:s9+$0x400]  }
0x1b2: {  	s15 =	simm.s32 $0x80;
	v5 =	vld [tilespmem:s9+$0x410]  }
0x1b3: {  	s14 =	simm.s32 $0x400;
	s13 =	simm.s32 $0x10;
	s10 =	simm.s32 $0x4;
	v4 =	vld [tilespmem:s9+$0x420]  }
.LBB2_10:
0x1b4: {  	s16 =	sand.u32 $0x6000, s15;
	s17 =	sand.u32 $0x1C00, s14;
	s10 =	sadd.s32 $0x4, s10;
	[tilespmem:s4+$0x8420] =	vst.add.f32.msk $0xffff, v3  }
0x1b5: {  	s4 =	sor.u32 s17, s16;
	s16 =	sand.u32 $0x380, s13;
	p0 =	slt.u32 s10, $0x7FC;
	[tilespmem:s9+$0x8430] =	vst.add.f32.msk $0xffff, v7  }
0x1b6: {  	s17 =	sand.u32 $0x40, s15;
	s16 =	sor.u32 s16, s4;
	[tilespmem:s9+$0x8400] =	vst.add.f32.msk $0xffff, v6;
	s4 =	smov.u32 s9  }
.Ltmp4:
0x1b7: {  	s9 =	sor.u32 s17, s16;
	[tilespmem:s4+$0x8410] =	vst.add.f32.msk $0xffff, v5;
	(pc) =	sbr.rel @p0 .LBB2_10-.Ltmp4, $4  }
0x1b8: {  	v7 =	vld [tilespmem:s9+$0x430];
	v3 =	vmov v4  }
0x1b9: {  	v6 =	vld [tilespmem:s9+$0x400]  }
0x1ba: {  	v5 =	vld [tilespmem:s9+$0x410]  }
0x1bb: {  	s14 =	sadd.s32 $0x200, s14;
	s13 =	sadd.s32 $0x8, s13;
	s15 =	sadd.s32 $0x40, s15;
	v4 =	vld [tilespmem:s9+$0x420]  }
0x1bc: {  	[tilespmem:s4+$0x8420] =	vst.add.f32.msk $0xffff, v3  }
0x1bd: {  	[tilespmem:s9+$0x8430] =	vst.add.f32.msk $0xffff, v7  }
0x1be: {  	[tilespmem:s9+$0x8400] =	vst.add.f32.msk $0xffff, v6  }
0x1bf: {  	[tilespmem:s9+$0x8410] =	vst.add.f32.msk $0xffff, v5  }
0x1c0: {  	[tilespmem:s9+$0x8420] =	vst.add.f32.msk $0xffff, v4  }
0x1c1: {  	s4 =	simm.s32 $0x0;
	s9 =	rddreg [dreg:$0xc]  }
0x1c2: {  	[hbm4b:s9+s4] =	stream.linear.scatter [tilespmem:s20], [sflag:$0x3], $0x8000, $0x38;
	[tilespmem:$0x18400] =	vst v63  }
0x1c3: {  	_ =	swait.ge [sflag:s30], $0x8000  }
0x1c4: {  	[sflag:s30] =	ssyncset.done $0x0  }
0x1c5: {  	[sflag:s30] =	ssyncadd.s32 $0xFFFF8000  }
0x1c6: {  	v3 =	vld [tilespmem:$0x300];
	_ =	sdelay $0x4  }
0x1c7: {  	v4 =	vshll.u32 v3, $0x3  }
0x1c8: {  	v3 =	vand.u32 $0x7, v3;
	v4 =	vand.u32 $0xFFFFFFC0, v4  }
0x1c9: {  	v3 =	vor.u32 v3, v4  }
0x1ca: {  	v4 =	vperm.xlane v3, v0;
	_ =	sdelay $0x1  }
0x1cb: {  	v4 =	vadd.s32 v1, v4;
	_ =	sdelay $0x4  }
0x1cc: {  	[tilespmem:s20], [sflag:$0x1] =	stream.indirect_vreg.gather [hbm4b:s1+s4], $0x80, v4, vm0, $0xb8;
	[tilespmem:$0x18400] =	vst v63  }
0x1cd: {  	s17 =	simm.s32 $0x8C00;
	v3 =	vperm.xlane v3, v2  }
0x1ce: {  	[tilespmem:s17], [sflag:$0x1] =	stream.indirect_vreg.gather [hbm4b:s5+s4], $0x80, v4, vm0, $0xb8;
	[tilespmem:$0x18400] =	vst v63  }
0x1cf: {  	s10 =	simm.s32 $0x9400;
	v3 =	vadd.s32 v1, v3  }
0x1d0: {  	[tilespmem:s10], [sflag:$0x1] =	stream.indirect_vreg.gather [hbm4b:s6+s4], $0x80, v4, vm0, $0xb8;
	[tilespmem:$0x18400] =	vst v63  }
0x1d1: {  	s13 =	simm.s32 $0x9C00  }
0x1d2: {  	[tilespmem:s13], [sflag:$0x1] =	stream.indirect_vreg.gather [hbm4b:s8+s4], $0x80, v4, vm0, $0xb8;
	[tilespmem:$0x18400] =	vst v63  }
0x1d3: {  	s14 =	simm.s32 $0xA400  }
0x1d4: {  	[tilespmem:s14], [sflag:$0x1] =	stream.indirect_vreg.gather [hbm4b:s1+s4], $0x80, v3, vm0, $0xb8;
	[tilespmem:$0x18400] =	vst v63  }
0x1d5: {  	s15 =	simm.s32 $0xAC00  }
0x1d6: {  	[tilespmem:s15], [sflag:$0x1] =	stream.indirect_vreg.gather [hbm4b:s5+s4], $0x80, v3, vm0, $0xb8;
	[tilespmem:$0x18400] =	vst v63  }
0x1d7: {  	s16 =	simm.s32 $0xB400  }
0x1d8: {  	[tilespmem:s16], [sflag:$0x1] =	stream.indirect_vreg.gather [hbm4b:s6+s4], $0x80, v3, vm0, $0xb8;
	[tilespmem:$0x18400] =	vst v63  }
0x1d9: {  	s17 =	simm.s32 $0xBC00  }
0x1da: {  	[tilespmem:s17], [sflag:$0x1] =	stream.indirect_vreg.gather [hbm4b:s8+s4], $0x80, v3, vm0, $0xb8;
	[tilespmem:$0x18400] =	vst v63  }
0x1db: {  	v3 =	vld [tilespmem:$0x310];
	_ =	sdelay $0x4  }
0x1dc: {  	v4 =	vshll.u32 v3, $0x3  }
0x1dd: {  	v3 =	vand.u32 $0x7, v3;
	v4 =	vand.u32 $0xFFFFFFC0, v4  }
0x1de: {  	v3 =	vor.u32 v3, v4  }
0x1df: {  	v4 =	vperm.xlane v3, v0;
	_ =	sdelay $0x1  }
0x1e0: {  	v4 =	vadd.s32 v1, v4;
	_ =	sdelay $0x3  }
0x1e1: {  	s10 =	simm.s32 $0xC400  }
0x1e2: {  	[tilespmem:s10], [sflag:$0x1] =	stream.indirect_vreg.gather [hbm4b:s1+s4], $0x80, v4, vm0, $0xb8;
	[tilespmem:$0x18400] =	vst v63  }
0x1e3: {  	s13 =	simm.s32 $0xCC00;
	v3 =	vperm.xlane v3, v2  }
0x1e4: {  	[tilespmem:s13], [sflag:$0x1] =	stream.indirect_vreg.gather [hbm4b:s5+s4], $0x80, v4, vm0, $0xb8;
	[tilespmem:$0x18400] =	vst v63  }
0x1e5: {  	s14 =	simm.s32 $0xD400;
	v3 =	vadd.s32 v1, v3  }
0x1e6: {  	[tilespmem:s14], [sflag:$0x1] =	stream.indirect_vreg.gather [hbm4b:s6+s4], $0x80, v4, vm0, $0xb8;
	[tilespmem:$0x18400] =	vst v63  }
0x1e7: {  	s15 =	simm.s32 $0xDC00  }
0x1e8: {  	[tilespmem:s15], [sflag:$0x1] =	stream.indirect_vreg.gather [hbm4b:s8+s4], $0x80, v4, vm0, $0xb8;
	[tilespmem:$0x18400] =	vst v63  }
0x1e9: {  	s16 =	simm.s32 $0xE400  }
0x1ea: {  	[tilespmem:s16], [sflag:$0x1] =	stream.indirect_vreg.gather [hbm4b:s1+s4], $0x80, v3, vm0, $0xb8;
	[tilespmem:$0x18400] =	vst v63  }
0x1eb: {  	s17 =	simm.s32 $0xEC00  }
0x1ec: {  	[tilespmem:s17], [sflag:$0x1] =	stream.indirect_vreg.gather [hbm4b:s5+s4], $0x80, v3, vm0, $0xb8;
	[tilespmem:$0x18400] =	vst v63  }
0x1ed: {  	s10 =	simm.s32 $0xF400;
	s13 =	simm.s32 $0xFC00  }
0x1ee: {  	[tilespmem:s10], [sflag:$0x1] =	stream.indirect_vreg.gather [hbm4b:s6+s4], $0x80, v3, vm0, $0xb8;
	[tilespmem:$0x18400] =	vst v63  }
0x1ef: {  	s14 =	sand.u32 $0x6000, s4;
	s15 =	sand.u32 $0x380, s4;
	s10 =	sand.u32 $0x1C00, s4  }
0x1f0: {  	[tilespmem:s13], [sflag:$0x1] =	stream.indirect_vreg.gather [hbm4b:s8+s4], $0x80, v3, vm0, $0xb8;
	[tilespmem:$0x18400] =	vst v63  }
0x1f1: {  	s16 =	simm.s32 $0x200;
	s9 =	sor.u32 s10, s14;
	_ =	swait.ge [sflag:s31], $0x8000  }
0x1f2: {  	s4 =	sand.u32 $0x40, s4;
	s9 =	sor.u32 s15, s9;
	[sflag:s31] =	ssyncset.done $0x0  }
0x1f3: {  	s17 =	simm.s32 $0x40;
	s4 =	sor.u32 s4, s9;
	[sflag:s31] =	ssyncadd.s32 $0xFFFF8000  }
0x1f4: {  	s14 =	sand.u32 $0x6000, s17;
	s13 =	simm.s32 $0x8;
	s9 =	sand.u32 $0x1C00, s16;
	v4 =	vld [tilespmem:s4+$0x430]  }
0x1f5: {  	s13 =	sand.u32 $0x380, s13;
	s9 =	sor.u32 s9, s14;
	v5 =	vld [tilespmem:s4+$0x400]  }
0x1f6: {  	s10 =	sand.u32 $0x40, s17;
	s9 =	sor.u32 s13, s9;
	v6 =	vld [tilespmem:s4+$0x410]  }
0x1f7: {  	v3 =	vld [tilespmem:s4+$0x420];
	s9 =	sor.u32 s10, s9  }
0x1f8: {  	v7 =	vld [tilespmem:s9+$0x430]  }
0x1f9: {  	[tilespmem:s4+$0x10430] =	vst.add.f32.msk $0xffff, v4  }
0x1fa: {  	[tilespmem:s4+$0x10400] =	vst.add.f32.msk $0xffff, v5  }
0x1fb: {  	[tilespmem:s4+$0x10410] =	vst.add.f32.msk $0xffff, v6  }
0x1fc: {  	v6 =	vld [tilespmem:s9+$0x400]  }
0x1fd: {  	s15 =	simm.s32 $0x80;
	v5 =	vld [tilespmem:s9+$0x410]  }
0x1fe: {  	s14 =	simm.s32 $0x400;
	s13 =	simm.s32 $0x10;
	s10 =	simm.s32 $0x4;
	v4 =	vld [tilespmem:s9+$0x420]  }
.LBB2_12:
0x1ff: {  	s16 =	sand.u32 $0x6000, s15;
	s17 =	sand.u32 $0x1C00, s14;
	s10 =	sadd.s32 $0x4, s10;
	[tilespmem:s4+$0x10420] =	vst.add.f32.msk $0xffff, v3  }
0x200: {  	s4 =	sor.u32 s17, s16;
	s16 =	sand.u32 $0x380, s13;
	p0 =	slt.u32 s10, $0x7FC;
	[tilespmem:s9+$0x10430] =	vst.add.f32.msk $0xffff, v7  }
0x201: {  	s17 =	sand.u32 $0x40, s15;
	s16 =	sor.u32 s16, s4;
	[tilespmem:s9+$0x10400] =	vst.add.f32.msk $0xffff, v6;
	s4 =	smov.u32 s9  }
.Ltmp5:
0x202: {  	s9 =	sor.u32 s17, s16;
	[tilespmem:s4+$0x10410] =	vst.add.f32.msk $0xffff, v5;
	(pc) =	sbr.rel @p0 .LBB2_12-.Ltmp5, $4  }
0x203: {  	v7 =	vld [tilespmem:s9+$0x430];
	v3 =	vmov v4  }
0x204: {  	v6 =	vld [tilespmem:s9+$0x400]  }
0x205: {  	v5 =	vld [tilespmem:s9+$0x410]  }
0x206: {  	s14 =	sadd.s32 $0x200, s14;
	s13 =	sadd.s32 $0x8, s13;
	s15 =	sadd.s32 $0x40, s15;
	v4 =	vld [tilespmem:s9+$0x420]  }
0x207: {  	[tilespmem:s4+$0x10420] =	vst.add.f32.msk $0xffff, v3  }
0x208: {  	[tilespmem:s9+$0x10430] =	vst.add.f32.msk $0xffff, v7  }
0x209: {  	[tilespmem:s9+$0x10400] =	vst.add.f32.msk $0xffff, v6  }
0x20a: {  	[tilespmem:s9+$0x10410] =	vst.add.f32.msk $0xffff, v5  }
0x20b: {  	[tilespmem:s9+$0x10420] =	vst.add.f32.msk $0xffff, v4  }
0x20c: {  	s4 =	simm.s32 $0x0;
	s9 =	rddreg [dreg:$0xd]  }
0x20d: {  	[hbm4b:s9+s4] =	stream.linear.scatter [tilespmem:s12], [sflag:$0x4], $0x8000, $0x38;
	[tilespmem:$0x18400] =	vst v63  }
0x20e: {  	_ =	swait.ge [sflag:s2], $0x8000  }
0x20f: {  	[sflag:s2] =	ssyncset.done $0x0  }
0x210: {  	[sflag:s2] =	ssyncadd.s32 $0xFFFF8000  }
0x211: {  	v3 =	vld [tilespmem:$0x380];
	_ =	sdelay $0x4  }
0x212: {  	v4 =	vshll.u32 v3, $0x3  }
0x213: {  	v3 =	vand.u32 $0x7, v3;
	v4 =	vand.u32 $0xFFFFFFC0, v4  }
0x214: {  	v3 =	vor.u32 v3, v4  }
0x215: {  	v4 =	vperm.xlane v3, v0;
	_ =	sdelay $0x1  }
0x216: {  	v4 =	vadd.s32 v1, v4;
	_ =	sdelay $0x4  }
0x217: {  	[tilespmem:s12], [sflag:$0x2] =	stream.indirect_vreg.gather [hbm4b:s1+s4], $0x80, v4, vm0, $0xb8;
	[tilespmem:$0x18400] =	vst v63  }
0x218: {  	s15 =	simm.s32 $0x10C00;
	v3 =	vperm.xlane v3, v2  }
0x219: {  	[tilespmem:s15], [sflag:$0x2] =	stream.indirect_vreg.gather [hbm4b:s5+s4], $0x80, v4, vm0, $0xb8;
	[tilespmem:$0x18400] =	vst v63  }
0x21a: {  	s16 =	simm.s32 $0x11400;
	v3 =	vadd.s32 v1, v3  }
0x21b: {  	[tilespmem:s16], [sflag:$0x2] =	stream.indirect_vreg.gather [hbm4b:s6+s4], $0x80, v4, vm0, $0xb8;
	[tilespmem:$0x18400] =	vst v63  }
0x21c: {  	s17 =	simm.s32 $0x11C00  }
0x21d: {  	[tilespmem:s17], [sflag:$0x2] =	stream.indirect_vreg.gather [hbm4b:s8+s4], $0x80, v4, vm0, $0xb8;
	[tilespmem:$0x18400] =	vst v63  }
0x21e: {  	s10 =	simm.s32 $0x12400  }
0x21f: {  	[tilespmem:s10], [sflag:$0x2] =	stream.indirect_vreg.gather [hbm4b:s1+s4], $0x80, v3, vm0, $0xb8;
	[tilespmem:$0x18400] =	vst v63  }
0x220: {  	s13 =	simm.s32 $0x12C00  }
0x221: {  	[tilespmem:s13], [sflag:$0x2] =	stream.indirect_vreg.gather [hbm4b:s5+s4], $0x80, v3, vm0, $0xb8;
	[tilespmem:$0x18400] =	vst v63  }
0x222: {  	_ = 	snop  }
0x223: {  	[tilespmem:s18], [sflag:$0x2] =	stream.indirect_vreg.gather [hbm4b:s6+s4], $0x80, v3, vm0, $0xb8;
	[tilespmem:$0x18400] =	vst v63  }
0x224: {  	_ = 	snop  }
0x225: {  	[tilespmem:s11], [sflag:$0x2] =	stream.indirect_vreg.gather [hbm4b:s8+s4], $0x80, v3, vm0, $0xb8;
	[tilespmem:$0x18400] =	vst v63  }
0x226: {  	v3 =	vld [tilespmem:$0x390];
	_ =	sdelay $0x4  }
0x227: {  	v4 =	vshll.u32 v3, $0x3  }
0x228: {  	v3 =	vand.u32 $0x7, v3;
	v4 =	vand.u32 $0xFFFFFFC0, v4  }
0x229: {  	v3 =	vor.u32 v3, v4  }
0x22a: {  	v4 =	vperm.xlane v3, v0;
	_ =	sdelay $0x1  }
0x22b: {  	v4 =	vadd.s32 v1, v4;
	_ =	sdelay $0x4  }
0x22c: {  	[tilespmem:s7], [sflag:$0x2] =	stream.indirect_vreg.gather [hbm4b:s1+s4], $0x80, v4, vm0, $0xb8;
	[tilespmem:$0x18400] =	vst v63  }
0x22d: {  	v3 =	vperm.xlane v3, v2  }
0x22e: {  	[tilespmem:s21], [sflag:$0x2] =	stream.indirect_vreg.gather [hbm4b:s5+s4], $0x80, v4, vm0, $0xb8;
	[tilespmem:$0x18400] =	vst v63  }
0x22f: {  	v3 =	vadd.s32 v1, v3  }
0x230: {  	[tilespmem:s22], [sflag:$0x2] =	stream.indirect_vreg.gather [hbm4b:s6+s4], $0x80, v4, vm0, $0xb8;
	[tilespmem:$0x18400] =	vst v63  }
0x231: {  	_ = 	snop  }
0x232: {  	[tilespmem:s23], [sflag:$0x2] =	stream.indirect_vreg.gather [hbm4b:s8+s4], $0x80, v4, vm0, $0xb8;
	[tilespmem:$0x18400] =	vst v63  }
0x233: {  	_ = 	snop  }
0x234: {  	[tilespmem:s24], [sflag:$0x2] =	stream.indirect_vreg.gather [hbm4b:s1+s4], $0x80, v3, vm0, $0xb8;
	[tilespmem:$0x18400] =	vst v63  }
0x235: {  	_ = 	snop  }
0x236: {  	[tilespmem:s25], [sflag:$0x2] =	stream.indirect_vreg.gather [hbm4b:s5+s4], $0x80, v3, vm0, $0xb8;
	[tilespmem:$0x18400] =	vst v63  }
0x237: {  	_ = 	snop  }
0x238: {  	[tilespmem:s26], [sflag:$0x2] =	stream.indirect_vreg.gather [hbm4b:s6+s4], $0x80, v3, vm0, $0xb8;
	[tilespmem:$0x18400] =	vst v63  }
0x239: {  	s14 =	sand.u32 $0x6000, s4;
	s15 =	sand.u32 $0x380, s4;
	s10 =	sand.u32 $0x1C00, s4  }
0x23a: {  	[tilespmem:s28], [sflag:$0x2] =	stream.indirect_vreg.gather [hbm4b:s8+s4], $0x80, v3, vm0, $0xb8;
	[tilespmem:$0x18400] =	vst v63  }
0x23b: {  	s16 =	simm.s32 $0x200;
	s9 =	sor.u32 s10, s14;
	_ =	swait.ge [sflag:s29], $0x8000  }
0x23c: {  	s9 =	sor.u32 s15, s9;
	s4 =	sand.u32 $0x40, s4;
	[sflag:s29] =	ssyncset.done $0x0  }
0x23d: {  	s17 =	simm.s32 $0x40;
	s4 =	sor.u32 s4, s9;
	[sflag:s29] =	ssyncadd.s32 $0xFFFF8000  }
0x23e: {  	s14 =	sand.u32 $0x6000, s17;
	s13 =	simm.s32 $0x8;
	s9 =	sand.u32 $0x1C00, s16;
	v4 =	vld [tilespmem:s4+$0x430]  }
0x23f: {  	s13 =	sand.u32 $0x380, s13;
	s9 =	sor.u32 s9, s14;
	v5 =	vld [tilespmem:s4+$0x400]  }
0x240: {  	s10 =	sand.u32 $0x40, s17;
	s9 =	sor.u32 s13, s9;
	v6 =	vld [tilespmem:s4+$0x410]  }
0x241: {  	v3 =	vld [tilespmem:s4+$0x420];
	s9 =	sor.u32 s10, s9  }
0x242: {  	v7 =	vld [tilespmem:s9+$0x430]  }
0x243: {  	[tilespmem:s4+$0x8430] =	vst.add.f32.msk $0xffff, v4  }
0x244: {  	[tilespmem:s4+$0x8400] =	vst.add.f32.msk $0xffff, v5  }
0x245: {  	[tilespmem:s4+$0x8410] =	vst.add.f32.msk $0xffff, v6  }
0x246: {  	v6 =	vld [tilespmem:s9+$0x400]  }
0x247: {  	s15 =	simm.s32 $0x80;
	v5 =	vld [tilespmem:s9+$0x410]  }
0x248: {  	s14 =	simm.s32 $0x400;
	s13 =	simm.s32 $0x10;
	s10 =	simm.s32 $0x4;
	v4 =	vld [tilespmem:s9+$0x420]  }
.LBB2_14:
0x249: {  	s16 =	sand.u32 $0x6000, s15;
	s17 =	sand.u32 $0x1C00, s14;
	s10 =	sadd.s32 $0x4, s10;
	[tilespmem:s4+$0x8420] =	vst.add.f32.msk $0xffff, v3  }
0x24a: {  	s4 =	sor.u32 s17, s16;
	s16 =	sand.u32 $0x380, s13;
	p0 =	slt.u32 s10, $0x7FC;
	[tilespmem:s9+$0x8430] =	vst.add.f32.msk $0xffff, v7  }
0x24b: {  	s17 =	sand.u32 $0x40, s15;
	s16 =	sor.u32 s16, s4;
	[tilespmem:s9+$0x8400] =	vst.add.f32.msk $0xffff, v6;
	s4 =	smov.u32 s9  }
.Ltmp6:
0x24c: {  	s9 =	sor.u32 s17, s16;
	[tilespmem:s4+$0x8410] =	vst.add.f32.msk $0xffff, v5;
	(pc) =	sbr.rel @p0 .LBB2_14-.Ltmp6, $4  }
0x24d: {  	v7 =	vld [tilespmem:s9+$0x430];
	v3 =	vmov v4  }
0x24e: {  	v6 =	vld [tilespmem:s9+$0x400]  }
0x24f: {  	v5 =	vld [tilespmem:s9+$0x410]  }
0x250: {  	s14 =	sadd.s32 $0x200, s14;
	s13 =	sadd.s32 $0x8, s13;
	s15 =	sadd.s32 $0x40, s15;
	v4 =	vld [tilespmem:s9+$0x420]  }
0x251: {  	[tilespmem:s4+$0x8420] =	vst.add.f32.msk $0xffff, v3  }
0x252: {  	[tilespmem:s9+$0x8430] =	vst.add.f32.msk $0xffff, v7  }
0x253: {  	[tilespmem:s9+$0x8400] =	vst.add.f32.msk $0xffff, v6  }
0x254: {  	[tilespmem:s9+$0x8410] =	vst.add.f32.msk $0xffff, v5  }
0x255: {  	s13 =	simm.s32 $0x0;
	s16 =	simm.s32 $0x200;
	[tilespmem:s9+$0x8420] =	vst.add.f32.msk $0xffff, v4  }
0x256: {  	s14 =	sand.u32 $0x6000, s13;
	s10 =	sand.u32 $0x1C00, s13;
	s9 =	rddreg [dreg:$0xe]  }
0x257: {  	[hbm4b:s9+s13] =	stream.linear.scatter [tilespmem:s20], [sflag:$0x3], $0x8000, $0x38;
	[tilespmem:$0x18400] =	vst v63  }
0x258: {  	s15 =	sand.u32 $0x380, s13;
	s9 =	sor.u32 s10, s14;
	_ =	swait.ge [sflag:s31], $0x8000  }
0x259: {  	s4 =	sand.u32 $0x40, s13;
	s9 =	sor.u32 s15, s9;
	[sflag:s31] =	ssyncset.done $0x0  }
0x25a: {  	s17 =	simm.s32 $0x40;
	s4 =	sor.u32 s4, s9;
	[sflag:s31] =	ssyncadd.s32 $0xFFFF8000  }
0x25b: {  	s13 =	simm.s32 $0x8;
	s14 =	sand.u32 $0x6000, s17;
	s9 =	sand.u32 $0x1C00, s16;
	v4 =	vld [tilespmem:s4+$0x430]  }
0x25c: {  	s13 =	sand.u32 $0x380, s13;
	s9 =	sor.u32 s9, s14;
	v5 =	vld [tilespmem:s4+$0x400]  }
0x25d: {  	s10 =	sand.u32 $0x40, s17;
	v6 =	vld [tilespmem:s4+$0x410];
	s9 =	sor.u32 s13, s9  }
0x25e: {  	v3 =	vld [tilespmem:s4+$0x420];
	s9 =	sor.u32 s10, s9  }
0x25f: {  	v7 =	vld [tilespmem:s9+$0x430]  }
0x260: {  	[tilespmem:s4+$0x10430] =	vst.add.f32.msk $0xffff, v4  }
0x261: {  	[tilespmem:s4+$0x10400] =	vst.add.f32.msk $0xffff, v5  }
0x262: {  	[tilespmem:s4+$0x10410] =	vst.add.f32.msk $0xffff, v6  }
0x263: {  	v6 =	vld [tilespmem:s9+$0x400]  }
0x264: {  	s15 =	simm.s32 $0x80;
	v5 =	vld [tilespmem:s9+$0x410]  }
0x265: {  	s14 =	simm.s32 $0x400;
	s13 =	simm.s32 $0x10;
	s10 =	simm.s32 $0x4;
	v4 =	vld [tilespmem:s9+$0x420]  }
.LBB2_16:
0x266: {  	s16 =	sand.u32 $0x6000, s15;
	s17 =	sand.u32 $0x1C00, s14;
	s10 =	sadd.s32 $0x4, s10;
	[tilespmem:s4+$0x10420] =	vst.add.f32.msk $0xffff, v3  }
0x267: {  	s4 =	sor.u32 s17, s16;
	s16 =	sand.u32 $0x380, s13;
	p0 =	slt.u32 s10, $0x7FC;
	[tilespmem:s9+$0x10430] =	vst.add.f32.msk $0xffff, v7  }
0x268: {  	s17 =	sand.u32 $0x40, s15;
	s16 =	sor.u32 s16, s4;
	[tilespmem:s9+$0x10400] =	vst.add.f32.msk $0xffff, v6;
	s4 =	smov.u32 s9  }
.Ltmp7:
0x269: {  	s9 =	sor.u32 s17, s16;
	[tilespmem:s4+$0x10410] =	vst.add.f32.msk $0xffff, v5;
	(pc) =	sbr.rel @p0 .LBB2_16-.Ltmp7, $4  }
0x26a: {  	v7 =	vld [tilespmem:s9+$0x430];
	v3 =	vmov v4  }
0x26b: {  	v6 =	vld [tilespmem:s9+$0x400]  }
0x26c: {  	v5 =	vld [tilespmem:s9+$0x410]  }
0x26d: {  	s14 =	sadd.s32 $0x200, s14;
	s13 =	sadd.s32 $0x8, s13;
	s15 =	sadd.s32 $0x40, s15;
	v4 =	vld [tilespmem:s9+$0x420]  }
0x26e: {  	[tilespmem:s4+$0x10420] =	vst.add.f32.msk $0xffff, v3  }
0x26f: {  	[tilespmem:s9+$0x10430] =	vst.add.f32.msk $0xffff, v7  }
0x270: {  	[tilespmem:s9+$0x10400] =	vst.add.f32.msk $0xffff, v6  }
0x271: {  	[tilespmem:s9+$0x10410] =	vst.add.f32.msk $0xffff, v5  }
0x272: {  	[tilespmem:s9+$0x10420] =	vst.add.f32.msk $0xffff, v4  }
0x273: {  	s4 =	rddreg [dreg:$0xf]  }
0x274: {  	[hbm4b:s4+s3] =	stream.linear.scatter [tilespmem:s12], [sflag:$0x4], $0x8000, $0x38;
	[tilespmem:$0x18400] =	vst v63  }
0x275: {  	_ =	swait.ge [sflag:s30], $0x8000  }
0x276: {  	[sflag:s30] =	ssyncset.done $0x0  }
0x277: {  	[sflag:s30] =	ssyncadd.s32 $0xFFFF8000  }
0x278: {  	_ =	swait.ge [sflag:s2], $0x8000  }
0x279: {  	s0 =	sadd.s32 $0x1, s0;
	s17 =	rddreg [dreg:$0x10]  }
0x27a: {  	p0 =	sne.s32 s0, s17  }
.Ltmp8:
0x27b: {  	_ = 	snop;
	(pc) =	sbr.rel @p0 .LBB2_1-.Ltmp8, $3  }
0x27c: {  	_ =	sdelay $0x1  }
0x27d: {  	[sflag:s2] =	ssyncset.done $0x0  }
0x27e: {  	[sflag:s2] =	ssyncadd.s32 $0xFFFF8000  }
0x27f: {  	_ =	sfence.sel $0x180000  }
0x280: {  	[bflag:$0x0] =	sbarrier.arrive $0xFFFF  }
0x281: {  	_ =	strace $0x90000047  }
0x282: {  	s0 =	stileid.u32;
	[bflag:$0x2] =	sbarrier.arrive $0xFFFF  }
0x283: {  	p0 =	sne.s32 s0, $0x0;
	s0 =	rddreg [dreg:$0x4]  }
0x284: {  	s0 =	sadd.s32 @!p0 $0x100000, s0  }
0x285: {  	[sflag:s0] =	ssyncadd.tile.s32 @!p0 $0x1;
	_ =	shalt  }
.Lfunc_end2:
_tile_overlayer_lowered:
.L_overlay_start_2:
0x286: {  	(tag) =	ssettag $0x2  }
0x287: {  	s0 =	rddreg [dreg:$0x0];
	s2 =	stileid.u32  }
0x288: {  	s1 =	rddreg [dreg:$0x1];
	p0 =	sne.s32 s2, $0x0  }
0x289: {  	s3 =	rddreg [dreg:$0x2];
	[bflag:$0x3] =	sbarrier.arrive $0xFFFF;
	s2 =	simm.s32 @!p0 $0x1C05  }
0x28a: {  	[timem:s3], [sflag:s2] =	dma.local @!p0 [hbm:s0], s1  }
0x28b: {  	s0 =	simm.s32 @!p0 $0x5  }
0x28c: {  	_ =	swait.ge @!p0 [sflag:s0], s1  }
0x28d: {  	s1 =	ssub.s32 @!p0 $0x0, s1;
	[sflag:s0] =	ssyncset.done @!p0 $0x0  }
0x28e: {  	[sflag:s0] =	ssyncadd.s32 @!p0 s1  }
0x28f: {  	[bflag:$0x3] =	sbarrier.arrive $0xFFFF  }
0x290: {  	_ =	shalt  }

</sc_bundles>
